<compile_context>
chip_gen: v7x
topology: tpu7x:2x2x1
jax: 0.10.2.dev20260603
libtpu: 0.0.44.dev20260713+nightly
codegen_flags: <defaults>
</compile_context>

<pallas_src>
import functools

import jax
import jax.numpy as jnp
from jax import lax
from jax.experimental import pallas as pl
from jax.experimental.pallas import tpu as pltpu
from jax.experimental.pallas import tpu_sc as plsc

N_NODES = 50000
E = 800000
F = 16
A = 4
H = 32
M = F * A
INV_SQRT_AVG = 0.25


EDGE_BLOCK = 8192


def _edge_body(f_ref, a_ref, w1_ref, b1_ref, w2_ref, b2_ref, wl_ref, bl_ref,
               msg_ref):
    f = f_ref[...]
    a = a_ref[...]
    h = jnp.dot(f, w1_ref[...], preferred_element_type=jnp.float32)
    h = h + b1_ref[...]
    h = h * jax.nn.sigmoid(h)
    h = jnp.dot(h, w2_ref[...], preferred_element_type=jnp.float32)
    h = h + b2_ref[...]
    h = h * jax.nn.sigmoid(h)
    mix = jnp.dot(h, wl_ref[...], preferred_element_type=jnp.float32)
    mix = mix + bl_ref[...]
    col = lax.broadcasted_iota(jnp.int32, (F, M), 1)
    row = lax.broadcasted_iota(jnp.int32, (F, M), 0)
    r1 = (col // A == row).astype(jnp.float32)
    col4 = lax.broadcasted_iota(jnp.int32, (A, M), 1)
    row4 = lax.broadcasted_iota(jnp.int32, (A, M), 0)
    r2 = (col4 % A == row4).astype(jnp.float32)
    fr = jnp.dot(f, r1, preferred_element_type=jnp.float32)
    ar = jnp.dot(a, r2, preferred_element_type=jnp.float32)
    msg = (fr * ar * mix).astype(jnp.bfloat16)
    msg_ref[0, :, :] = msg[:, : M // 2]
    msg_ref[1, :, :] = msg[:, M // 2:]


def _edge_messages(edge_feats, edge_attrs, W1, b1, W2, b2, Wl, bl,
                   interpret=False):
    e = edge_feats.shape[0]
    grid = (e + EDGE_BLOCK - 1) // EDGE_BLOCK
    full = lambda s: pl.BlockSpec(s, lambda i: (0, 0))
    return pl.pallas_call(
        _edge_body,
        grid=(grid,),
        in_specs=[
            pl.BlockSpec((EDGE_BLOCK, F), lambda i: (i, 0)),
            pl.BlockSpec((EDGE_BLOCK, A), lambda i: (i, 0)),
            full((F, H)), full((1, H)),
            full((H, H)), full((1, H)),
            full((H, M)), full((1, M)),
        ],
        out_specs=pl.BlockSpec((2, EDGE_BLOCK, M // 2), lambda i: (0, i, 0)),
        out_shape=jax.ShapeDtypeStruct((2, e, M // 2), jnp.bfloat16),
        interpret=interpret,
    )(edge_feats, edge_attrs, W1, b1.reshape(1, H), W2, b2.reshape(1, H),
      Wl, bl.reshape(1, M))



NSC = 2
NTILE = 16
CH = M // NSC
CHUNK = 1024
SUB = 128
NSUB = CHUNK // SUB
NFULL = E // CHUNK
TAIL = E - NFULL * CHUNK
NECHUNK = NFULL + 1
ECHUNK_ITERS = (NECHUNK + NTILE - 1) // NTILE
IDX_ROWS = E // SUB
ZROWS = 400
NZCHUNK = N_NODES // ZROWS
ZITER = (NZCHUNK + NTILE - 1) // NTILE


def _scatter_body(msg_hbm, recv_hbm, out_hbm, msg_v, idx_v, out_v, acc_sh):
    c = lax.axis_index("c")
    s = lax.axis_index("s")

    z32 = jnp.zeros((CH,), jnp.bfloat16)

    def _zfill(i, _):
        msg_v[i, pl.ds(0, CH)] = z32
        return 0

    lax.fori_loop(0, ZROWS, _zfill, 0)

    def _zchunk(t, _):
        q = s + NTILE * t

        @pl.when(q < NZCHUNK)
        def _():
            off = pl.multiple_of(q * ZROWS, 8)
            pltpu.sync_copy(msg_v.at[pl.ds(0, ZROWS), :],
                            acc_sh.at[pl.ds(off, ZROWS), :])

        return 0

    lax.fori_loop(0, ZITER, _zchunk, 0)
    plsc.subcore_barrier()

    def _chunk(t, _):
        q = s + NTILE * t

        @pl.when(q < NFULL)
        def _():
            row0 = pl.multiple_of(q * CHUNK, 8)
            pltpu.sync_copy(msg_hbm.at[c, pl.ds(row0, CHUNK), :], msg_v)
            r0 = pl.multiple_of(q * NSUB, 8)
            pltpu.sync_copy(recv_hbm.at[pl.ds(r0, NSUB), :], idx_v)
            for j in range(NSUB):
                pltpu.sync_copy(msg_v.at[pl.ds(j * SUB, SUB), :],
                                acc_sh.at[idx_v.at[j]], add=True)

        @pl.when(q == NFULL)
        def _():
            pltpu.sync_copy(msg_hbm.at[c, pl.ds(NFULL * CHUNK, TAIL), :],
                            msg_v.at[pl.ds(0, TAIL), :])
            pltpu.sync_copy(recv_hbm.at[pl.ds(NFULL * NSUB, TAIL // SUB), :],
                            idx_v.at[pl.ds(0, TAIL // SUB), :])
            for j in range(TAIL // SUB):
                pltpu.sync_copy(msg_v.at[pl.ds(j * SUB, SUB), :],
                                acc_sh.at[idx_v.at[j]], add=True)

        return 0

    lax.fori_loop(0, ECHUNK_ITERS, _chunk, 0)
    plsc.subcore_barrier()

    lane = lax.iota(jnp.int32, 16)
    col_even = lane * 2
    col_odd = col_even + 1
    half = ZROWS // 2

    def _wchunk(t, _):
        q = s + NTILE * t

        @pl.when(q < NZCHUNK)
        def _():
            off = pl.multiple_of(q * ZROWS, 8)
            pltpu.sync_copy(acc_sh.at[pl.ds(off, ZROWS), :],
                            msg_v.at[pl.ds(0, ZROWS), :])

            def _conv(r, _):
                w = plsc.bitcast(msg_v[r, pl.ds(0, CH)], jnp.int32)
                even = plsc.bitcast(w << 16, jnp.float32)
                odd = plsc.bitcast(w & jnp.int32(-65536), jnp.float32)
                dst = (r >> 1) + (r & 1) * half
                rvec = jnp.full((16,), dst, jnp.int32)
                plsc.store_scatter(out_v, [rvec, col_even], even)
                plsc.store_scatter(out_v, [rvec, col_odd], odd)
                return 0

            lax.fori_loop(0, ZROWS, _conv, 0)
            orow = pl.multiple_of(q * half, 8)
            pltpu.sync_copy(out_v.at[pl.ds(0, half), :],
                            out_hbm.at[pl.ds(orow, half), pl.ds(c * CH, CH)])
            pltpu.sync_copy(out_v.at[pl.ds(half, half), :],
                            out_hbm.at[pl.ds(orow, half),
                                       pl.ds(M + c * CH, CH)])

        return 0

    lax.fori_loop(0, ZITER, _wchunk, 0)


@functools.cache
def _make_scatter_kernel():
    return pl.kernel(
        _scatter_body,
        out_type=jax.ShapeDtypeStruct((N_NODES // 2, 2 * M), jnp.float32),
        mesh=plsc.VectorSubcoreMesh(core_axis_name="c", subcore_axis_name="s"),
        scratch_types=[
            pltpu.VMEM((CHUNK, CH), jnp.bfloat16),
            pltpu.VMEM((NSUB, SUB), jnp.int32),
            pltpu.VMEM((ZROWS, CH), jnp.float32),
            pltpu.VMEM_SHARED((N_NODES, CH), jnp.bfloat16),
        ],
        compiler_params=pltpu.CompilerParams(use_tc_tiling_on_sc=False,
                                             needs_layout_passes=False),
    )



def kernel(edge_feats, edge_attrs, receivers, n_nodes, W1, b1, W2, b2, Wl, bl):
    msgs = _edge_messages(edge_feats, edge_attrs, W1, b1, W2, b2,
                          Wl * INV_SQRT_AVG, bl * INV_SQRT_AVG)
    idx = receivers.astype(jnp.int32)
    out = _make_scatter_kernel()(msgs, idx.reshape(IDX_ROWS, SUB))
    return out.reshape(N_NODES, M)

# --- scband reference (transcript-rebuilt; emitter-appended) ---
"""Pipeline reference for scband-message-passing-convolution-58926951301691 (READ-ONLY COPY).

The authoritative reference and input builder live on the scoring server;
editing this copy changes nothing except your own understanding.
"""

import jax, jax.numpy as jnp
import numpy as np

N_NODES = 50000
E = 800000
F = 16   # edge_feats scalar channels (Fx0e)
A = 4    # edge_attrs scalar channels (Ax0e)
H = 32   # mlp hidden units
M = F * A  # message channels after tensor product = num_irreps of messages
AVG_NUM_NEIGHBORS = 16.0


def silu(x):
    return x * jax.nn.sigmoid(x)


def setup_inputs(seed: int = 0) -> dict:
    key = jax.random.key(seed)
    ks = jax.random.split(key, 10)
    edge_feats = jax.random.normal(ks[0], (E, F), dtype=jnp.float32)
    edge_attrs = jax.random.normal(ks[1], (E, A), dtype=jnp.float32)
    receivers = jnp.sort(jax.random.randint(ks[2], (E,), 0, N_NODES, dtype=jnp.int64))
    # haiku MLP params (hk.Linear default: truncated-normal stddev 1/sqrt(fan_in), zero bias)
    W1 = jax.random.normal(ks[3], (F, H), dtype=jnp.float32) / np.sqrt(F)
    b1 = jnp.zeros((H,), dtype=jnp.float32)
    W2 = jax.random.normal(ks[4], (H, H), dtype=jnp.float32) / np.sqrt(H)
    b2 = jnp.zeros((H,), dtype=jnp.float32)
    # e3nn.haiku.Linear to messages.irreps.num_irreps scalars, with bias
    Wl = jax.random.normal(ks[5], (H, M), dtype=jnp.float32) / np.sqrt(H)
    bl = jnp.zeros((M,), dtype=jnp.float32)
    return {
        "edge_feats": edge_feats,
        "edge_attrs": edge_attrs,
        "receivers": receivers,
        "n_nodes": N_NODES,
        "W1": W1, "b1": b1,
        "W2": W2, "b2": b2,
        "Wl": Wl, "bl": bl,
    }


def reference(edge_feats, edge_attrs, receivers, n_nodes, W1, b1, W2, b2, Wl, bl):
    # e3nn.tensor_product of Fx0e (x) Ax0e -> (F*A)x0e : per-edge outer product
    messages = (edge_feats[:, :, None] * edge_attrs[:, None, :]).reshape(edge_feats.shape[0], F * A)
    # mix = MLP(edge_feats.filter('0e')) with activate_final=True (filter is identity: all scalars)
    h = silu(edge_feats @ W1 + b1)
    h = silu(h @ W2 + b2)
    # Linear (with bias) to messages.irreps.num_irreps scalars
    mix = h @ Wl + bl
    # per-irrep scalar gating; all irreps are scalars -> elementwise
    messages = messages * mix
    # zeros.at[receivers].add(messages) : scatter-add into node features
    scatter_idx = receivers + (n_nodes - N_NODES)
    node_feats = jnp.zeros((N_NODES, F * A), dtype=messages.dtype).at[scatter_idx].add(messages)
    return node_feats / jnp.sqrt(AVG_NUM_NEIGHBORS)

if __name__ == "__main__":
    import jax
    _d = setup_inputs()
    print(jax.jit(kernel)(*tuple(_d.values())))

</pallas_src>

<mosaic_0001>
#map = affine_map<(d0, d1) -> (0, 0, 0)>
#map1 = affine_map<(d0, d1) -> (0, 0)>
module attributes {stable_mosaic.version = 14 : i64} {
  func.func @_scatter_body(%arg0: i32, %arg1: i32, %arg2: memref<2x800000x32xbf16, #tpu.memory_space<hbm>>, %arg3: memref<6250x128xi32, #tpu.memory_space<hbm>>, %arg4: memref<25000x128xf32, #tpu.memory_space<hbm>>, %arg5: memref<1024x32xbf16, #tpu.memory_space<vmem>>, %arg6: memref<8x128xi32, #tpu.memory_space<vmem>>, %arg7: memref<400x32xf32, #tpu.memory_space<vmem>>, %arg8: memref<50000x32xbf16, #tpu.memory_space<vmem_shared>>) attributes {dimension_semantics = [#tpu.dimension_semantics<core_parallel>, #tpu.dimension_semantics<subcore_parallel>], iteration_bounds = array<i64: 2, 16>, scalar_prefetch = 0 : i64, scratch_operands = 4 : i64, tpu.core_type = #tpu.core_type<sc_vector_subcore>, window_params = [{transform_indices = #map}, {transform_indices = #map1}, {transform_indices = #map1}]} {
    %broadcast_in_dim3A = arith.constant 0.000000e+00 : bf16
    %broadcast_in_dim3A_0 = vector.broadcast %broadcast_in_dim3A : bf16 to vector<32xbf16>
    %scan3A = arith.constant 0 : i32
    %scan3A_1 = arith.constant 0 : i32
    %scan3A_2 = arith.constant 400 : i32
    %scan3A_3 = arith.addi %scan3A_1, %scan3A_2 : i32
    %scan3A_4 = arith.constant 1 : i32
    %scan3A_5 = scf.for %scan3A_33 = %scan3A_1 to %scan3A_3 step %scan3A_4 iter_args(%scan3A_34 = %scan3A) -> (i32)  : i32 {
      %swap3A = arith.index_cast %scan3A_33 : i32 to index
      %swap3A_35 = arith.constant 0 : index
      %swap3A_36 = tpu.vector_load %arg5[%swap3A, %swap3A_35] {strides = array<i32>} : memref<1024x32xbf16, #tpu.memory_space<vmem>>, vector<32xbf16>,
      tpu.vector_store %arg5[%swap3A, %swap3A_35], %broadcast_in_dim3A_0 {strides = array<i32>} : memref<1024x32xbf16, #tpu.memory_space<vmem>>, vector<32xbf16>,
      %scan3A_37 = arith.constant 0 : i32
      scf.yield %scan3A_37 : i32
    }
    %scan3A_6 = arith.constant 400 : i32
    %scan3A_7 = arith.constant 0 : i32
    %scan3A_8 = arith.constant 0 : i32
    %scan3A_9 = arith.constant 8 : i32
    %scan3A_10 = arith.addi %scan3A_8, %scan3A_9 : i32
    %scan3A_11 = arith.constant 1 : i32
    %scan3A_12 = scf.for %scan3A_33 = %scan3A_8 to %scan3A_10 step %scan3A_11 iter_args(%scan3A_34 = %scan3A_7) -> (i32)  : i32 {
      %mul3A_35 = arith.constant 16 : i32
      %mul3A_36 = arith.muli %mul3A_35, %scan3A_33 : i32
      %add3A_37 = arith.addi %arg1, %mul3A_36 : i32
      %lt3A = arith.constant 125 : i32
      %lt3A_38 = arith.cmpi slt, %add3A_37, %lt3A : i32
      %convert_element_type3A = arith.extui %lt3A_38 : i1 to i32
      %cond3A = arith.constant 0 : i32
      %cond3A_39 = arith.cmpi ne, %convert_element_type3A, %cond3A : i32
      scf.if %cond3A_39 {
        %mul3A_41 = arith.constant 400 : i32
        %mul3A_42 = arith.muli %add3A_37, %mul3A_41 : i32
        %multiple_of3A = tpu.assume_multiple %mul3A_42, 8 : i32
        "tpu.region"() ({
          %run_scoped3A = tpu.sem_alloc : memref<!tpu.dma_semaphore, #tpu.memory_space<semaphore_mem>>
          %dma_start3A = arith.constant 0 : i32
          %dma_start3A_43 = arith.constant 0 : i32
          %dma_start3A_44 = tpu.memref_slice %arg5[%dma_start3A, %dma_start3A_43] : memref<1024x32xbf16, #tpu.memory_space<vmem>> -> memref<400x32xbf16, #tpu.memory_space<vmem>>
          %dma_start3A_45 = arith.constant 0 : i32
          %dma_start3A_46 = tpu.memref_slice %arg8[%multiple_of3A, %dma_start3A_45] : memref<50000x32xbf16, #tpu.memory_space<vmem_shared>> -> memref<400x32xbf16, #tpu.memory_space<vmem_shared>>
          %dma_start3A_47 = arith.constant 0 : i32
          %dma_start3A_48 = tpu.memref_slice %arg8[%multiple_of3A, %dma_start3A_47] : memref<50000x32xbf16, #tpu.memory_space<vmem_shared>> -> memref<400x32xbf16, #tpu.memory_space<vmem_shared>>
          %dma_start3A_49 = arith.constant 0 : i32
          %dma_start3A_50 = arith.constant 0 : i32
          %dma_start3A_51 = tpu.memref_slice %arg5[%dma_start3A_49, %dma_start3A_50] : memref<1024x32xbf16, #tpu.memory_space<vmem>> -> memref<400x32xbf16, #tpu.memory_space<vmem>>
          tpu.enqueue_dma source(%dma_start3A_51 : memref<400x32xbf16, #tpu.memory_space<vmem>>) target(%dma_start3A_48 : memref<400x32xbf16, #tpu.memory_space<vmem_shared>>) target_semaphore(%run_scoped3A : memref<!tpu.dma_semaphore, #tpu.memory_space<semaphore_mem>>)
          %dma_wait3A = arith.constant 0 : i32
          %dma_wait3A_52 = arith.constant 0 : i32
          %dma_wait3A_53 = tpu.memref_slice %arg5[%dma_wait3A, %dma_wait3A_52] : memref<1024x32xbf16, #tpu.memory_space<vmem>> -> memref<400x32xbf16, #tpu.memory_space<vmem>>
          %dma_wait3A_54 = arith.constant 0 : i32
          %dma_wait3A_55 = tpu.memref_slice %arg8[%multiple_of3A, %dma_wait3A_54] : memref<50000x32xbf16, #tpu.memory_space<vmem_shared>> -> memref<400x32xbf16, #tpu.memory_space<vmem_shared>>
          %dma_wait3A_56 = arith.constant 0 : i32
          %dma_wait3A_57 = tpu.memref_slice %arg8[%multiple_of3A, %dma_wait3A_56] : memref<50000x32xbf16, #tpu.memory_space<vmem_shared>> -> memref<400x32xbf16, #tpu.memory_space<vmem_shared>>
          %dma_wait3A_58 = arith.constant 0 : i32
          %dma_wait3A_59 = arith.constant 0 : i32
          %dma_wait3A_60 = tpu.memref_slice %arg5[%dma_wait3A_58, %dma_wait3A_59] : memref<1024x32xbf16, #tpu.memory_space<vmem>> -> memref<400x32xbf16, #tpu.memory_space<vmem>>
          tpu.wait_dma2 semaphore(%run_scoped3A : memref<!tpu.dma_semaphore, #tpu.memory_space<semaphore_mem>>) src(%dma_wait3A_60 : memref<400x32xbf16, #tpu.memory_space<vmem>>) dst(%dma_wait3A_57 : memref<400x32xbf16, #tpu.memory_space<vmem_shared>>)
          tpu.yield
        }) : () -> ()
      } else {
      }
      %scan3A_40 = arith.constant 0 : i32
      scf.yield %scan3A_40 : i32
    }
    %scan3A_13 = arith.constant 8 : i32
    %barrier3A = arith.constant 0 : index
    tpu.barrier barrier_id(%barrier3A)
    %scan3A_14 = arith.constant 0 : i32
    %scan3A_15 = arith.constant 0 : i32
    %scan3A_16 = arith.constant 49 : i32
    %scan3A_17 = arith.addi %scan3A_15, %scan3A_16 : i32
    %scan3A_18 = arith.constant 1 : i32
    %scan3A_19 = scf.for %scan3A_33 = %scan3A_15 to %scan3A_17 step %scan3A_18 iter_args(%scan3A_34 = %scan3A_14) -> (i32)  : i32 {
      %mul3A_35 = arith.constant 16 : i32
      %mul3A_36 = arith.muli %mul3A_35, %scan3A_33 : i32
      %add3A_37 = arith.addi %arg1, %mul3A_36 : i32
      %lt3A = arith.constant 781 : i32
      %lt3A_38 = arith.cmpi slt, %add3A_37, %lt3A : i32
      %convert_element_type3A = arith.extui %lt3A_38 : i1 to i32
      %cond3A = arith.constant 0 : i32
      %cond3A_39 = arith.cmpi ne, %convert_element_type3A, %cond3A : i32
      scf.if %cond3A_39 {
        %mul3A_45 = arith.constant 1024 : i32
        %mul3A_46 = arith.muli %add3A_37, %mul3A_45 : i32
        %multiple_of3A = tpu.assume_multiple %mul3A_46, 8 : i32
        "tpu.region"() ({
          %run_scoped3A_57 = tpu.sem_alloc : memref<!tpu.dma_semaphore, #tpu.memory_space<semaphore_mem>>
          %dma_start3A = arith.constant 0 : i32
          %dma_start3A_58 = tpu.memref_slice %arg2[%arg0, %multiple_of3A, %dma_start3A] : memref<2x800000x32xbf16, #tpu.memory_space<hbm>> -> memref<1x1024x32xbf16, #tpu.memory_space<hbm>>
          %dma_start3A_59 = tpu.memref_squeeze %dma_start3A_58 : memref<1x1024x32xbf16, #tpu.memory_space<hbm>> -> memref<1024x32xbf16, #tpu.memory_space<hbm>>
          %dma_start3A_60 = arith.constant 0 : i32
          %dma_start3A_61 = tpu.memref_slice %arg2[%arg0, %multiple_of3A, %dma_start3A_60] : memref<2x800000x32xbf16, #tpu.memory_space<hbm>> -> memref<1x1024x32xbf16, #tpu.memory_space<hbm>>
          %dma_start3A_62 = tpu.memref_squeeze %dma_start3A_61 : memref<1x1024x32xbf16, #tpu.memory_space<hbm>> -> memref<1024x32xbf16, #tpu.memory_space<hbm>>
          tpu.enqueue_dma source(%dma_start3A_62 : memref<1024x32xbf16, #tpu.memory_space<hbm>>) target(%arg5 : memref<1024x32xbf16, #tpu.memory_space<vmem>>) target_semaphore(%run_scoped3A_57 : memref<!tpu.dma_semaphore, #tpu.memory_space<semaphore_mem>>)
          %dma_wait3A = arith.constant 0 : i32
          %dma_wait3A_63 = tpu.memref_slice %arg2[%arg0, %multiple_of3A, %dma_wait3A] : memref<2x800000x32xbf16, #tpu.memory_space<hbm>> -> memref<1x1024x32xbf16, #tpu.memory_space<hbm>>
          %dma_wait3A_64 = tpu.memref_squeeze %dma_wait3A_63 : memref<1x1024x32xbf16, #tpu.memory_space<hbm>> -> memref<1024x32xbf16, #tpu.memory_space<hbm>>
          %dma_wait3A_65 = arith.constant 0 : i32
          %dma_wait3A_66 = tpu.memref_slice %arg2[%arg0, %multiple_of3A, %dma_wait3A_65] : memref<2x800000x32xbf16, #tpu.memory_space<hbm>> -> memref<1x1024x32xbf16, #tpu.memory_space<hbm>>
          %dma_wait3A_67 = tpu.memref_squeeze %dma_wait3A_66 : memref<1x1024x32xbf16, #tpu.memory_space<hbm>> -> memref<1024x32xbf16, #tpu.memory_space<hbm>>
          tpu.wait_dma2 semaphore(%run_scoped3A_57 : memref<!tpu.dma_semaphore, #tpu.memory_space<semaphore_mem>>) src(%dma_wait3A_67 : memref<1024x32xbf16, #tpu.memory_space<hbm>>) dst(%arg5 : memref<1024x32xbf16, #tpu.memory_space<vmem>>)
          tpu.yield
        }) : () -> ()
        %mul3A_47 = arith.constant 8 : i32
        %mul3A_48 = arith.muli %add3A_37, %mul3A_47 : i32
        %multiple_of3A_49 = tpu.assume_multiple %mul3A_48, 8 : i32
        "tpu.region"() ({
          %run_scoped3A_57 = tpu.sem_alloc : memref<!tpu.dma_semaphore, #tpu.memory_space<semaphore_mem>>
          %dma_start3A = arith.constant 0 : i32
          %dma_start3A_58 = tpu.memref_slice %arg3[%multiple_of3A_49, %dma_start3A] : memref<6250x128xi32, #tpu.memory_space<hbm>> -> memref<8x128xi32, #tpu.memory_space<hbm>>
          %dma_start3A_59 = arith.constant 0 : i32
          %dma_start3A_60 = tpu.memref_slice %arg3[%multiple_of3A_49, %dma_start3A_59] : memref<6250x128xi32, #tpu.memory_space<hbm>> -> memref<8x128xi32, #tpu.memory_space<hbm>>
          tpu.enqueue_dma source(%dma_start3A_60 : memref<8x128xi32, #tpu.memory_space<hbm>>) target(%arg6 : memref<8x128xi32, #tpu.memory_space<vmem>>) target_semaphore(%run_scoped3A_57 : memref<!tpu.dma_semaphore, #tpu.memory_space<semaphore_mem>>)
          %dma_wait3A = arith.constant 0 : i32
          %dma_wait3A_61 = tpu.memref_slice %arg3[%multiple_of3A_49, %dma_wait3A] : memref<6250x128xi32, #tpu.memory_space<hbm>> -> memref<8x128xi32, #tpu.memory_space<hbm>>
          %dma_wait3A_62 = arith.constant 0 : i32
          %dma_wait3A_63 = tpu.memref_slice %arg3[%multiple_of3A_49, %dma_wait3A_62] : memref<6250x128xi32, #tpu.memory_space<hbm>> -> memref<8x128xi32, #tpu.memory_space<hbm>>
          tpu.wait_dma2 semaphore(%run_scoped3A_57 : memref<!tpu.dma_semaphore, #tpu.memory_space<semaphore_mem>>) src(%dma_wait3A_63 : memref<8x128xi32, #tpu.memory_space<hbm>>) dst(%arg6 : memref<8x128xi32, #tpu.memory_space<vmem>>)
          tpu.yield
        }) : () -> ()
        %run_scoped3A = arith.constant 0 : i32
        "tpu.region"() ({
          %run_scoped3A_57 = tpu.sem_alloc : memref<!tpu.dma_semaphore, #tpu.memory_space<semaphore_mem>>
          %dma_start3A = arith.constant 0 : i32
          %dma_start3A_58 = arith.constant 0 : i32
          %dma_start3A_59 = tpu.memref_slice %arg5[%dma_start3A, %dma_start3A_58] : memref<1024x32xbf16, #tpu.memory_space<vmem>> -> memref<128x32xbf16, #tpu.memory_space<vmem>>
          %dma_start3A_60 = arith.constant 0 : i32
          %dma_start3A_61 = tpu.memref_slice %arg6[%run_scoped3A, %dma_start3A_60] : memref<8x128xi32, #tpu.memory_space<vmem>> -> memref<1x128xi32, #tpu.memory_space<vmem>>
          %dma_start3A_62 = tpu.memref_squeeze %dma_start3A_61 : memref<1x128xi32, #tpu.memory_space<vmem>> -> memref<128xi32, #tpu.memory_space<vmem>>
          %dma_start3A_63 = arith.constant 0 : i32
          %dma_start3A_64 = arith.constant 0 : i32
          %dma_start3A_65 = tpu.memref_slice %arg8[%dma_start3A_63, %dma_start3A_64] : memref<50000x32xbf16, #tpu.memory_space<vmem_shared>> -> memref<50000x32xbf16, #tpu.memory_space<vmem_shared>>
          tpu.enqueue_indirect_dma source(%dma_start3A_59 : memref<128x32xbf16, #tpu.memory_space<vmem>>) target(%dma_start3A_65 : memref<50000x32xbf16, #tpu.memory_space<vmem_shared>>) offsets(%dma_start3A_62 : memref<128xi32, #tpu.memory_space<vmem>>) semaphore(%run_scoped3A_57 : memref<!tpu.dma_semaphore, #tpu.memory_space<semaphore_mem>>) {add = true}
          %dma_wait3A = arith.constant 0 : i32
          %dma_wait3A_66 = arith.constant 0 : i32
          %dma_wait3A_67 = tpu.memref_slice %arg5[%dma_wait3A, %dma_wait3A_66] : memref<1024x32xbf16, #tpu.memory_space<vmem>> -> memref<128x32xbf16, #tpu.memory_space<vmem>>
          %dma_wait3A_68 = arith.constant 0 : i32
          %dma_wait3A_69 = tpu.memref_slice %arg6[%run_scoped3A, %dma_wait3A_68] : memref<8x128xi32, #tpu.memory_space<vmem>> -> memref<1x128xi32, #tpu.memory_space<vmem>>
          %dma_wait3A_70 = tpu.memref_squeeze %dma_wait3A_69 : memref<1x128xi32, #tpu.memory_space<vmem>> -> memref<128xi32, #tpu.memory_space<vmem>>
          %dma_wait3A_71 = arith.constant 0 : i32
          %dma_wait3A_72 = arith.constant 0 : i32
          %dma_wait3A_73 = tpu.memref_slice %arg8[%dma_wait3A_71, %dma_wait3A_72] : memref<50000x32xbf16, #tpu.memory_space<vmem_shared>> -> memref<50000x32xbf16, #tpu.memory_space<vmem_shared>>
          tpu.wait_indirect_dma semaphore(%run_scoped3A_57 : memref<!tpu.dma_semaphore, #tpu.memory_space<semaphore_mem>>) src(%dma_wait3A_67 : memref<128x32xbf16, #tpu.memory_space<vmem>>) dst(%dma_wait3A_73 : memref<50000x32xbf16, #tpu.memory_space<vmem_shared>>)
          tpu.yield
        }) : () -> ()
        %run_scoped3A_50 = arith.constant 1 : i32
        "tpu.region"() ({
          %run_scoped3A_57 = tpu.sem_alloc : memref<!tpu.dma_semaphore, #tpu.memory_space<semaphore_mem>>
          %dma_start3A = arith.constant 128 : i32
          %dma_start3A_58 = arith.constant 0 : i32
          %dma_start3A_59 = tpu.memref_slice %arg5[%dma_start3A, %dma_start3A_58] : memref<1024x32xbf16, #tpu.memory_space<vmem>> -> memref<128x32xbf16, #tpu.memory_space<vmem>>
          %dma_start3A_60 = arith.constant 0 : i32
          %dma_start3A_61 = tpu.memref_slice %arg6[%run_scoped3A_50, %dma_start3A_60] : memref<8x128xi32, #tpu.memory_space<vmem>> -> memref<1x128xi32, #tpu.memory_space<vmem>>
          %dma_start3A_62 = tpu.memref_squeeze %dma_start3A_61 : memref<1x128xi32, #tpu.memory_space<vmem>> -> memref<128xi32, #tpu.memory_space<vmem>>
          %dma_start3A_63 = arith.constant 0 : i32
          %dma_start3A_64 = arith.constant 0 : i32
          %dma_start3A_65 = tpu.memref_slice %arg8[%dma_start3A_63, %dma_start3A_64] : memref<50000x32xbf16, #tpu.memory_space<vmem_shared>> -> memref<50000x32xbf16, #tpu.memory_space<vmem_shared>>
          tpu.enqueue_indirect_dma source(%dma_start3A_59 : memref<128x32xbf16, #tpu.memory_space<vmem>>) target(%dma_start3A_65 : memref<50000x32xbf16, #tpu.memory_space<vmem_shared>>) offsets(%dma_start3A_62 : memref<128xi32, #tpu.memory_space<vmem>>) semaphore(%run_scoped3A_57 : memref<!tpu.dma_semaphore, #tpu.memory_space<semaphore_mem>>) {add = true}
          %dma_wait3A = arith.constant 128 : i32
          %dma_wait3A_66 = arith.constant 0 : i32
          %dma_wait3A_67 = tpu.memref_slice %arg5[%dma_wait3A, %dma_wait3A_66] : memref<1024x32xbf16, #tpu.memory_space<vmem>> -> memref<128x32xbf16, #tpu.memory_space<vmem>>
          %dma_wait3A_68 = arith.constant 0 : i32
          %dma_wait3A_69 = tpu.memref_slice %arg6[%run_scoped3A_50, %dma_wait3A_68] : memref<8x128xi32, #tpu.memory_space<vmem>> -> memref<1x128xi32, #tpu.memory_space<vmem>>
          %dma_wait3A_70 = tpu.memref_squeeze %dma_wait3A_69 : memref<1x128xi32, #tpu.memory_space<vmem>> -> memref<128xi32, #tpu.memory_space<vmem>>
          %dma_wait3A_71 = arith.constant 0 : i32
          %dma_wait3A_72 = arith.constant 0 : i32
          %dma_wait3A_73 = tpu.memref_slice %arg8[%dma_wait3A_71, %dma_wait3A_72] : memref<50000x32xbf16, #tpu.memory_space<vmem_shared>> -> memref<50000x32xbf16, #tpu.memory_space<vmem_shared>>
          tpu.wait_indirect_dma semaphore(%run_scoped3A_57 : memref<!tpu.dma_semaphore, #tpu.memory_space<semaphore_mem>>) src(%dma_wait3A_67 : memref<128x32xbf16, #tpu.memory_space<vmem>>) dst(%dma_wait3A_73 : memref<50000x32xbf16, #tpu.memory_space<vmem_shared>>)
          tpu.yield
        }) : () -> ()
        %run_scoped3A_51 = arith.constant 2 : i32
        "tpu.region"() ({
          %run_scoped3A_57 = tpu.sem_alloc : memref<!tpu.dma_semaphore, #tpu.memory_space<semaphore_mem>>
          %dma_start3A = arith.constant 256 : i32
          %dma_start3A_58 = arith.constant 0 : i32
          %dma_start3A_59 = tpu.memref_slice %arg5[%dma_start3A, %dma_start3A_58] : memref<1024x32xbf16, #tpu.memory_space<vmem>> -> memref<128x32xbf16, #tpu.memory_space<vmem>>
          %dma_start3A_60 = arith.constant 0 : i32
          %dma_start3A_61 = tpu.memref_slice %arg6[%run_scoped3A_51, %dma_start3A_60] : memref<8x128xi32, #tpu.memory_space<vmem>> -> memref<1x128xi32, #tpu.memory_space<vmem>>
          %dma_start3A_62 = tpu.memref_squeeze %dma_start3A_61 : memref<1x128xi32, #tpu.memory_space<vmem>> -> memref<128xi32, #tpu.memory_space<vmem>>
          %dma_start3A_63 = arith.constant 0 : i32
          %dma_start3A_64 = arith.constant 0 : i32
          %dma_start3A_65 = tpu.memref_slice %arg8[%dma_start3A_63, %dma_start3A_64] : memref<50000x32xbf16, #tpu.memory_space<vmem_shared>> -> memref<50000x32xbf16, #tpu.memory_space<vmem_shared>>
          tpu.enqueue_indirect_dma source(%dma_start3A_59 : memref<128x32xbf16, #tpu.memory_space<vmem>>) target(%dma_start3A_65 : memref<50000x32xbf16, #tpu.memory_space<vmem_shared>>) offsets(%dma_start3A_62 : memref<128xi32, #tpu.memory_space<vmem>>) semaphore(%run_scoped3A_57 : memref<!tpu.dma_semaphore, #tpu.memory_space<semaphore_mem>>) {add = true}
          %dma_wait3A = arith.constant 256 : i32
          %dma_wait3A_66 = arith.constant 0 : i32
          %dma_wait3A_67 = tpu.memref_slice %arg5[%dma_wait3A, %dma_wait3A_66] : memref<1024x32xbf16, #tpu.memory_space<vmem>> -> memref<128x32xbf16, #tpu.memory_space<vmem>>
          %dma_wait3A_68 = arith.constant 0 : i32
          %dma_wait3A_69 = tpu.memref_slice %arg6[%run_scoped3A_51, %dma_wait3A_68] : memref<8x128xi32, #tpu.memory_space<vmem>> -> memref<1x128xi32, #tpu.memory_space<vmem>>
          %dma_wait3A_70 = tpu.memref_squeeze %dma_wait3A_69 : memref<1x128xi32, #tpu.memory_space<vmem>> -> memref<128xi32, #tpu.memory_space<vmem>>
          %dma_wait3A_71 = arith.constant 0 : i32
          %dma_wait3A_72 = arith.constant 0 : i32
          %dma_wait3A_73 = tpu.memref_slice %arg8[%dma_wait3A_71, %dma_wait3A_72] : memref<50000x32xbf16, #tpu.memory_space<vmem_shared>> -> memref<50000x32xbf16, #tpu.memory_space<vmem_shared>>
          tpu.wait_indirect_dma semaphore(%run_scoped3A_57 : memref<!tpu.dma_semaphore, #tpu.memory_space<semaphore_mem>>) src(%dma_wait3A_67 : memref<128x32xbf16, #tpu.memory_space<vmem>>) dst(%dma_wait3A_73 : memref<50000x32xbf16, #tpu.memory_space<vmem_shared>>)
          tpu.yield
        }) : () -> ()
        %run_scoped3A_52 = arith.constant 3 : i32
        "tpu.region"() ({
          %run_scoped3A_57 = tpu.sem_alloc : memref<!tpu.dma_semaphore, #tpu.memory_space<semaphore_mem>>
          %dma_start3A = arith.constant 384 : i32
          %dma_start3A_58 = arith.constant 0 : i32
          %dma_start3A_59 = tpu.memref_slice %arg5[%dma_start3A, %dma_start3A_58] : memref<1024x32xbf16, #tpu.memory_space<vmem>> -> memref<128x32xbf16, #tpu.memory_space<vmem>>
          %dma_start3A_60 = arith.constant 0 : i32
          %dma_start3A_61 = tpu.memref_slice %arg6[%run_scoped3A_52, %dma_start3A_60] : memref<8x128xi32, #tpu.memory_space<vmem>> -> memref<1x128xi32, #tpu.memory_space<vmem>>
          %dma_start3A_62 = tpu.memref_squeeze %dma_start3A_61 : memref<1x128xi32, #tpu.memory_space<vmem>> -> memref<128xi32, #tpu.memory_space<vmem>>
          %dma_start3A_63 = arith.constant 0 : i32
          %dma_start3A_64 = arith.constant 0 : i32
          %dma_start3A_65 = tpu.memref_slice %arg8[%dma_start3A_63, %dma_start3A_64] : memref<50000x32xbf16, #tpu.memory_space<vmem_shared>> -> memref<50000x32xbf16, #tpu.memory_space<vmem_shared>>
          tpu.enqueue_indirect_dma source(%dma_start3A_59 : memref<128x32xbf16, #tpu.memory_space<vmem>>) target(%dma_start3A_65 : memref<50000x32xbf16, #tpu.memory_space<vmem_shared>>) offsets(%dma_start3A_62 : memref<128xi32, #tpu.memory_space<vmem>>) semaphore(%run_scoped3A_57 : memref<!tpu.dma_semaphore, #tpu.memory_space<semaphore_mem>>) {add = true}
          %dma_wait3A = arith.constant 384 : i32
          %dma_wait3A_66 = arith.constant 0 : i32
          %dma_wait3A_67 = tpu.memref_slice %arg5[%dma_wait3A, %dma_wait3A_66] : memref<1024x32xbf16, #tpu.memory_space<vmem>> -> memref<128x32xbf16, #tpu.memory_space<vmem>>
          %dma_wait3A_68 = arith.constant 0 : i32
          %dma_wait3A_69 = tpu.memref_slice %arg6[%run_scoped3A_52, %dma_wait3A_68] : memref<8x128xi32, #tpu.memory_space<vmem>> -> memref<1x128xi32, #tpu.memory_space<vmem>>
          %dma_wait3A_70 = tpu.memref_squeeze %dma_wait3A_69 : memref<1x128xi32, #tpu.memory_space<vmem>> -> memref<128xi32, #tpu.memory_space<vmem>>
          %dma_wait3A_71 = arith.constant 0 : i32
          %dma_wait3A_72 = arith.constant 0 : i32
          %dma_wait3A_73 = tpu.memref_slice %arg8[%dma_wait3A_71, %dma_wait3A_72] : memref<50000x32xbf16, #tpu.memory_space<vmem_shared>> -> memref<50000x32xbf16, #tpu.memory_space<vmem_shared>>
          tpu.wait_indirect_dma semaphore(%run_scoped3A_57 : memref<!tpu.dma_semaphore, #tpu.memory_space<semaphore_mem>>) src(%dma_wait3A_67 : memref<128x32xbf16, #tpu.memory_space<vmem>>) dst(%dma_wait3A_73 : memref<50000x32xbf16, #tpu.memory_space<vmem_shared>>)
          tpu.yield
        }) : () -> ()
        %run_scoped3A_53 = arith.constant 4 : i32
        "tpu.region"() ({
          %run_scoped3A_57 = tpu.sem_alloc : memref<!tpu.dma_semaphore, #tpu.memory_space<semaphore_mem>>
          %dma_start3A = arith.constant 512 : i32
          %dma_start3A_58 = arith.constant 0 : i32
          %dma_start3A_59 = tpu.memref_slice %arg5[%dma_start3A, %dma_start3A_58] : memref<1024x32xbf16, #tpu.memory_space<vmem>> -> memref<128x32xbf16, #tpu.memory_space<vmem>>
          %dma_start3A_60 = arith.constant 0 : i32
          %dma_start3A_61 = tpu.memref_slice %arg6[%run_scoped3A_53, %dma_start3A_60] : memref<8x128xi32, #tpu.memory_space<vmem>> -> memref<1x128xi32, #tpu.memory_space<vmem>>
          %dma_start3A_62 = tpu.memref_squeeze %dma_start3A_61 : memref<1x128xi32, #tpu.memory_space<vmem>> -> memref<128xi32, #tpu.memory_space<vmem>>
          %dma_start3A_63 = arith.constant 0 : i32
          %dma_start3A_64 = arith.constant 0 : i32
          %dma_start3A_65 = tpu.memref_slice %arg8[%dma_start3A_63, %dma_start3A_64] : memref<50000x32xbf16, #tpu.memory_space<vmem_shared>> -> memref<50000x32xbf16, #tpu.memory_space<vmem_shared>>
          tpu.enqueue_indirect_dma source(%dma_start3A_59 : memref<128x32xbf16, #tpu.memory_space<vmem>>) target(%dma_start3A_65 : memref<50000x32xbf16, #tpu.memory_space<vmem_shared>>) offsets(%dma_start3A_62 : memref<128xi32, #tpu.memory_space<vmem>>) semaphore(%run_scoped3A_57 : memref<!tpu.dma_semaphore, #tpu.memory_space<semaphore_mem>>) {add = true}
          %dma_wait3A = arith.constant 512 : i32
          %dma_wait3A_66 = arith.constant 0 : i32
          %dma_wait3A_67 = tpu.memref_slice %arg5[%dma_wait3A, %dma_wait3A_66] : memref<1024x32xbf16, #tpu.memory_space<vmem>> -> memref<128x32xbf16, #tpu.memory_space<vmem>>
          %dma_wait3A_68 = arith.constant 0 : i32
          %dma_wait3A_69 = tpu.memref_slice %arg6[%run_scoped3A_53, %dma_wait3A_68] : memref<8x128xi32, #tpu.memory_space<vmem>> -> memref<1x128xi32, #tpu.memory_space<vmem>>
          %dma_wait3A_70 = tpu.memref_squeeze %dma_wait3A_69 : memref<1x128xi32, #tpu.memory_space<vmem>> -> memref<128xi32, #tpu.memory_space<vmem>>
          %dma_wait3A_71 = arith.constant 0 : i32
          %dma_wait3A_72 = arith.constant 0 : i32
          %dma_wait3A_73 = tpu.memref_slice %arg8[%dma_wait3A_71, %dma_wait3A_72] : memref<50000x32xbf16, #tpu.memory_space<vmem_shared>> -> memref<50000x32xbf16, #tpu.memory_space<vmem_shared>>
          tpu.wait_indirect_dma semaphore(%run_scoped3A_57 : memref<!tpu.dma_semaphore, #tpu.memory_space<semaphore_mem>>) src(%dma_wait3A_67 : memref<128x32xbf16, #tpu.memory_space<vmem>>) dst(%dma_wait3A_73 : memref<50000x32xbf16, #tpu.memory_space<vmem_shared>>)
          tpu.yield
        }) : () -> ()
        %run_scoped3A_54 = arith.constant 5 : i32
        "tpu.region"() ({
          %run_scoped3A_57 = tpu.sem_alloc : memref<!tpu.dma_semaphore, #tpu.memory_space<semaphore_mem>>
          %dma_start3A = arith.constant 640 : i32
          %dma_start3A_58 = arith.constant 0 : i32
          %dma_start3A_59 = tpu.memref_slice %arg5[%dma_start3A, %dma_start3A_58] : memref<1024x32xbf16, #tpu.memory_space<vmem>> -> memref<128x32xbf16, #tpu.memory_space<vmem>>
          %dma_start3A_60 = arith.constant 0 : i32
          %dma_start3A_61 = tpu.memref_slice %arg6[%run_scoped3A_54, %dma_start3A_60] : memref<8x128xi32, #tpu.memory_space<vmem>> -> memref<1x128xi32, #tpu.memory_space<vmem>>
          %dma_start3A_62 = tpu.memref_squeeze %dma_start3A_61 : memref<1x128xi32, #tpu.memory_space<vmem>> -> memref<128xi32, #tpu.memory_space<vmem>>
          %dma_start3A_63 = arith.constant 0 : i32
          %dma_start3A_64 = arith.constant 0 : i32
          %dma_start3A_65 = tpu.memref_slice %arg8[%dma_start3A_63, %dma_start3A_64] : memref<50000x32xbf16, #tpu.memory_space<vmem_shared>> -> memref<50000x32xbf16, #tpu.memory_space<vmem_shared>>
          tpu.enqueue_indirect_dma source(%dma_start3A_59 : memref<128x32xbf16, #tpu.memory_space<vmem>>) target(%dma_start3A_65 : memref<50000x32xbf16, #tpu.memory_space<vmem_shared>>) offsets(%dma_start3A_62 : memref<128xi32, #tpu.memory_space<vmem>>) semaphore(%run_scoped3A_57 : memref<!tpu.dma_semaphore, #tpu.memory_space<semaphore_mem>>) {add = true}
          %dma_wait3A = arith.constant 640 : i32
          %dma_wait3A_66 = arith.constant 0 : i32
          %dma_wait3A_67 = tpu.memref_slice %arg5[%dma_wait3A, %dma_wait3A_66] : memref<1024x32xbf16, #tpu.memory_space<vmem>> -> memref<128x32xbf16, #tpu.memory_space<vmem>>
          %dma_wait3A_68 = arith.constant 0 : i32
          %dma_wait3A_69 = tpu.memref_slice %arg6[%run_scoped3A_54, %dma_wait3A_68] : memref<8x128xi32, #tpu.memory_space<vmem>> -> memref<1x128xi32, #tpu.memory_space<vmem>>
          %dma_wait3A_70 = tpu.memref_squeeze %dma_wait3A_69 : memref<1x128xi32, #tpu.memory_space<vmem>> -> memref<128xi32, #tpu.memory_space<vmem>>
          %dma_wait3A_71 = arith.constant 0 : i32
          %dma_wait3A_72 = arith.constant 0 : i32
          %dma_wait3A_73 = tpu.memref_slice %arg8[%dma_wait3A_71, %dma_wait3A_72] : memref<50000x32xbf16, #tpu.memory_space<vmem_shared>> -> memref<50000x32xbf16, #tpu.memory_space<vmem_shared>>
          tpu.wait_indirect_dma semaphore(%run_scoped3A_57 : memref<!tpu.dma_semaphore, #tpu.memory_space<semaphore_mem>>) src(%dma_wait3A_67 : memref<128x32xbf16, #tpu.memory_space<vmem>>) dst(%dma_wait3A_73 : memref<50000x32xbf16, #tpu.memory_space<vmem_shared>>)
          tpu.yield
        }) : () -> ()
        %run_scoped3A_55 = arith.constant 6 : i32
        "tpu.region"() ({
          %run_scoped3A_57 = tpu.sem_alloc : memref<!tpu.dma_semaphore, #tpu.memory_space<semaphore_mem>>
          %dma_start3A = arith.constant 768 : i32
          %dma_start3A_58 = arith.constant 0 : i32
          %dma_start3A_59 = tpu.memref_slice %arg5[%dma_start3A, %dma_start3A_58] : memref<1024x32xbf16, #tpu.memory_space<vmem>> -> memref<128x32xbf16, #tpu.memory_space<vmem>>
          %dma_start3A_60 = arith.constant 0 : i32
          %dma_start3A_61 = tpu.memref_slice %arg6[%run_scoped3A_55, %dma_start3A_60] : memref<8x128xi32, #tpu.memory_space<vmem>> -> memref<1x128xi32, #tpu.memory_space<vmem>>
          %dma_start3A_62 = tpu.memref_squeeze %dma_start3A_61 : memref<1x128xi32, #tpu.memory_space<vmem>> -> memref<128xi32, #tpu.memory_space<vmem>>
          %dma_start3A_63 = arith.constant 0 : i32
          %dma_start3A_64 = arith.constant 0 : i32
          %dma_start3A_65 = tpu.memref_slice %arg8[%dma_start3A_63, %dma_start3A_64] : memref<50000x32xbf16, #tpu.memory_space<vmem_shared>> -> memref<50000x32xbf16, #tpu.memory_space<vmem_shared>>
          tpu.enqueue_indirect_dma source(%dma_start3A_59 : memref<128x32xbf16, #tpu.memory_space<vmem>>) target(%dma_start3A_65 : memref<50000x32xbf16, #tpu.memory_space<vmem_shared>>) offsets(%dma_start3A_62 : memref<128xi32, #tpu.memory_space<vmem>>) semaphore(%run_scoped3A_57 : memref<!tpu.dma_semaphore, #tpu.memory_space<semaphore_mem>>) {add = true}
          %dma_wait3A = arith.constant 768 : i32
          %dma_wait3A_66 = arith.constant 0 : i32
          %dma_wait3A_67 = tpu.memref_slice %arg5[%dma_wait3A, %dma_wait3A_66] : memref<1024x32xbf16, #tpu.memory_space<vmem>> -> memref<128x32xbf16, #tpu.memory_space<vmem>>
          %dma_wait3A_68 = arith.constant 0 : i32
          %dma_wait3A_69 = tpu.memref_slice %arg6[%run_scoped3A_55, %dma_wait3A_68] : memref<8x128xi32, #tpu.memory_space<vmem>> -> memref<1x128xi32, #tpu.memory_space<vmem>>
          %dma_wait3A_70 = tpu.memref_squeeze %dma_wait3A_69 : memref<1x128xi32, #tpu.memory_space<vmem>> -> memref<128xi32, #tpu.memory_space<vmem>>
          %dma_wait3A_71 = arith.constant 0 : i32
          %dma_wait3A_72 = arith.constant 0 : i32
          %dma_wait3A_73 = tpu.memref_slice %arg8[%dma_wait3A_71, %dma_wait3A_72] : memref<50000x32xbf16, #tpu.memory_space<vmem_shared>> -> memref<50000x32xbf16, #tpu.memory_space<vmem_shared>>
          tpu.wait_indirect_dma semaphore(%run_scoped3A_57 : memref<!tpu.dma_semaphore, #tpu.memory_space<semaphore_mem>>) src(%dma_wait3A_67 : memref<128x32xbf16, #tpu.memory_space<vmem>>) dst(%dma_wait3A_73 : memref<50000x32xbf16, #tpu.memory_space<vmem_shared>>)
          tpu.yield
        }) : () -> ()
        %run_scoped3A_56 = arith.constant 7 : i32
        "tpu.region"() ({
          %run_scoped3A_57 = tpu.sem_alloc : memref<!tpu.dma_semaphore, #tpu.memory_space<semaphore_mem>>
          %dma_start3A = arith.constant 896 : i32
          %dma_start3A_58 = arith.constant 0 : i32
          %dma_start3A_59 = tpu.memref_slice %arg5[%dma_start3A, %dma_start3A_58] : memref<1024x32xbf16, #tpu.memory_space<vmem>> -> memref<128x32xbf16, #tpu.memory_space<vmem>>
          %dma_start3A_60 = arith.constant 0 : i32
          %dma_start3A_61 = tpu.memref_slice %arg6[%run_scoped3A_56, %dma_start3A_60] : memref<8x128xi32, #tpu.memory_space<vmem>> -> memref<1x128xi32, #tpu.memory_space<vmem>>
          %dma_start3A_62 = tpu.memref_squeeze %dma_start3A_61 : memref<1x128xi32, #tpu.memory_space<vmem>> -> memref<128xi32, #tpu.memory_space<vmem>>
          %dma_start3A_63 = arith.constant 0 : i32
          %dma_start3A_64 = arith.constant 0 : i32
          %dma_start3A_65 = tpu.memref_slice %arg8[%dma_start3A_63, %dma_start3A_64] : memref<50000x32xbf16, #tpu.memory_space<vmem_shared>> -> memref<50000x32xbf16, #tpu.memory_space<vmem_shared>>
          tpu.enqueue_indirect_dma source(%dma_start3A_59 : memref<128x32xbf16, #tpu.memory_space<vmem>>) target(%dma_start3A_65 : memref<50000x32xbf16, #tpu.memory_space<vmem_shared>>) offsets(%dma_start3A_62 : memref<128xi32, #tpu.memory_space<vmem>>) semaphore(%run_scoped3A_57 : memref<!tpu.dma_semaphore, #tpu.memory_space<semaphore_mem>>) {add = true}
          %dma_wait3A = arith.constant 896 : i32
          %dma_wait3A_66 = arith.constant 0 : i32
          %dma_wait3A_67 = tpu.memref_slice %arg5[%dma_wait3A, %dma_wait3A_66] : memref<1024x32xbf16, #tpu.memory_space<vmem>> -> memref<128x32xbf16, #tpu.memory_space<vmem>>
          %dma_wait3A_68 = arith.constant 0 : i32
          %dma_wait3A_69 = tpu.memref_slice %arg6[%run_scoped3A_56, %dma_wait3A_68] : memref<8x128xi32, #tpu.memory_space<vmem>> -> memref<1x128xi32, #tpu.memory_space<vmem>>
          %dma_wait3A_70 = tpu.memref_squeeze %dma_wait3A_69 : memref<1x128xi32, #tpu.memory_space<vmem>> -> memref<128xi32, #tpu.memory_space<vmem>>
          %dma_wait3A_71 = arith.constant 0 : i32
          %dma_wait3A_72 = arith.constant 0 : i32
          %dma_wait3A_73 = tpu.memref_slice %arg8[%dma_wait3A_71, %dma_wait3A_72] : memref<50000x32xbf16, #tpu.memory_space<vmem_shared>> -> memref<50000x32xbf16, #tpu.memory_space<vmem_shared>>
          tpu.wait_indirect_dma semaphore(%run_scoped3A_57 : memref<!tpu.dma_semaphore, #tpu.memory_space<semaphore_mem>>) src(%dma_wait3A_67 : memref<128x32xbf16, #tpu.memory_space<vmem>>) dst(%dma_wait3A_73 : memref<50000x32xbf16, #tpu.memory_space<vmem_shared>>)
          tpu.yield
        }) : () -> ()
      } else {
      }
      %eq3A = arith.constant 781 : i32
      %eq3A_40 = arith.cmpi eq, %add3A_37, %eq3A : i32
      %convert_element_type3A_41 = arith.extui %eq3A_40 : i1 to i32
      %cond3A_42 = arith.constant 0 : i32
      %cond3A_43 = arith.cmpi ne, %convert_element_type3A_41, %cond3A_42 : i32
      scf.if %cond3A_43 {
        "tpu.region"() ({
          %run_scoped3A_46 = tpu.sem_alloc : memref<!tpu.dma_semaphore, #tpu.memory_space<semaphore_mem>>
          %dma_start3A = arith.constant 0 : i32
          %dma_start3A_47 = arith.constant 0 : i32
          %dma_start3A_48 = tpu.memref_slice %arg5[%dma_start3A, %dma_start3A_47] : memref<1024x32xbf16, #tpu.memory_space<vmem>> -> memref<256x32xbf16, #tpu.memory_space<vmem>>
          %dma_start3A_49 = arith.constant 799744 : i32
          %dma_start3A_50 = arith.constant 0 : i32
          %dma_start3A_51 = tpu.memref_slice %arg2[%arg0, %dma_start3A_49, %dma_start3A_50] : memref<2x800000x32xbf16, #tpu.memory_space<hbm>> -> memref<1x256x32xbf16, #tpu.memory_space<hbm>>
          %dma_start3A_52 = tpu.memref_squeeze %dma_start3A_51 : memref<1x256x32xbf16, #tpu.memory_space<hbm>> -> memref<256x32xbf16, #tpu.memory_space<hbm>>
          %dma_start3A_53 = arith.constant 0 : i32
          %dma_start3A_54 = arith.constant 0 : i32
          %dma_start3A_55 = tpu.memref_slice %arg5[%dma_start3A_53, %dma_start3A_54] : memref<1024x32xbf16, #tpu.memory_space<vmem>> -> memref<256x32xbf16, #tpu.memory_space<vmem>>
          %dma_start3A_56 = arith.constant 799744 : i32
          %dma_start3A_57 = arith.constant 0 : i32
          %dma_start3A_58 = tpu.memref_slice %arg2[%arg0, %dma_start3A_56, %dma_start3A_57] : memref<2x800000x32xbf16, #tpu.memory_space<hbm>> -> memref<1x256x32xbf16, #tpu.memory_space<hbm>>
          %dma_start3A_59 = tpu.memref_squeeze %dma_start3A_58 : memref<1x256x32xbf16, #tpu.memory_space<hbm>> -> memref<256x32xbf16, #tpu.memory_space<hbm>>
          tpu.enqueue_dma source(%dma_start3A_59 : memref<256x32xbf16, #tpu.memory_space<hbm>>) target(%dma_start3A_55 : memref<256x32xbf16, #tpu.memory_space<vmem>>) target_semaphore(%run_scoped3A_46 : memref<!tpu.dma_semaphore, #tpu.memory_space<semaphore_mem>>)
          %dma_wait3A = arith.constant 0 : i32
          %dma_wait3A_60 = arith.constant 0 : i32
          %dma_wait3A_61 = tpu.memref_slice %arg5[%dma_wait3A, %dma_wait3A_60] : memref<1024x32xbf16, #tpu.memory_space<vmem>> -> memref<256x32xbf16, #tpu.memory_space<vmem>>
          %dma_wait3A_62 = arith.constant 799744 : i32
          %dma_wait3A_63 = arith.constant 0 : i32
          %dma_wait3A_64 = tpu.memref_slice %arg2[%arg0, %dma_wait3A_62, %dma_wait3A_63] : memref<2x800000x32xbf16, #tpu.memory_space<hbm>> -> memref<1x256x32xbf16, #tpu.memory_space<hbm>>
          %dma_wait3A_65 = tpu.memref_squeeze %dma_wait3A_64 : memref<1x256x32xbf16, #tpu.memory_space<hbm>> -> memref<256x32xbf16, #tpu.memory_space<hbm>>
          %dma_wait3A_66 = arith.constant 0 : i32
          %dma_wait3A_67 = arith.constant 0 : i32
          %dma_wait3A_68 = tpu.memref_slice %arg5[%dma_wait3A_66, %dma_wait3A_67] : memref<1024x32xbf16, #tpu.memory_space<vmem>> -> memref<256x32xbf16, #tpu.memory_space<vmem>>
          %dma_wait3A_69 = arith.constant 799744 : i32
          %dma_wait3A_70 = arith.constant 0 : i32
          %dma_wait3A_71 = tpu.memref_slice %arg2[%arg0, %dma_wait3A_69, %dma_wait3A_70] : memref<2x800000x32xbf16, #tpu.memory_space<hbm>> -> memref<1x256x32xbf16, #tpu.memory_space<hbm>>
          %dma_wait3A_72 = tpu.memref_squeeze %dma_wait3A_71 : memref<1x256x32xbf16, #tpu.memory_space<hbm>> -> memref<256x32xbf16, #tpu.memory_space<hbm>>
          tpu.wait_dma2 semaphore(%run_scoped3A_46 : memref<!tpu.dma_semaphore, #tpu.memory_space<semaphore_mem>>) src(%dma_wait3A_72 : memref<256x32xbf16, #tpu.memory_space<hbm>>) dst(%dma_wait3A_68 : memref<256x32xbf16, #tpu.memory_space<vmem>>)
          tpu.yield
        }) : () -> ()
        "tpu.region"() ({
          %run_scoped3A_46 = tpu.sem_alloc : memref<!tpu.dma_semaphore, #tpu.memory_space<semaphore_mem>>
          %dma_start3A = arith.constant 0 : i32
          %dma_start3A_47 = arith.constant 0 : i32
          %dma_start3A_48 = tpu.memref_slice %arg6[%dma_start3A, %dma_start3A_47] : memref<8x128xi32, #tpu.memory_space<vmem>> -> memref<2x128xi32, #tpu.memory_space<vmem>>
          %dma_start3A_49 = arith.constant 6248 : i32
          %dma_start3A_50 = arith.constant 0 : i32
          %dma_start3A_51 = tpu.memref_slice %arg3[%dma_start3A_49, %dma_start3A_50] : memref<6250x128xi32, #tpu.memory_space<hbm>> -> memref<2x128xi32, #tpu.memory_space<hbm>>
          %dma_start3A_52 = arith.constant 0 : i32
          %dma_start3A_53 = arith.constant 0 : i32
          %dma_start3A_54 = tpu.memref_slice %arg6[%dma_start3A_52, %dma_start3A_53] : memref<8x128xi32, #tpu.memory_space<vmem>> -> memref<2x128xi32, #tpu.memory_space<vmem>>
          %dma_start3A_55 = arith.constant 6248 : i32
          %dma_start3A_56 = arith.constant 0 : i32
          %dma_start3A_57 = tpu.memref_slice %arg3[%dma_start3A_55, %dma_start3A_56] : memref<6250x128xi32, #tpu.memory_space<hbm>> -> memref<2x128xi32, #tpu.memory_space<hbm>>
          tpu.enqueue_dma source(%dma_start3A_57 : memref<2x128xi32, #tpu.memory_space<hbm>>) target(%dma_start3A_54 : memref<2x128xi32, #tpu.memory_space<vmem>>) target_semaphore(%run_scoped3A_46 : memref<!tpu.dma_semaphore, #tpu.memory_space<semaphore_mem>>)
          %dma_wait3A = arith.constant 0 : i32
          %dma_wait3A_58 = arith.constant 0 : i32
          %dma_wait3A_59 = tpu.memref_slice %arg6[%dma_wait3A, %dma_wait3A_58] : memref<8x128xi32, #tpu.memory_space<vmem>> -> memref<2x128xi32, #tpu.memory_space<vmem>>
          %dma_wait3A_60 = arith.constant 6248 : i32
          %dma_wait3A_61 = arith.constant 0 : i32
          %dma_wait3A_62 = tpu.memref_slice %arg3[%dma_wait3A_60, %dma_wait3A_61] : memref<6250x128xi32, #tpu.memory_space<hbm>> -> memref<2x128xi32, #tpu.memory_space<hbm>>
          %dma_wait3A_63 = arith.constant 0 : i32
          %dma_wait3A_64 = arith.constant 0 : i32
          %dma_wait3A_65 = tpu.memref_slice %arg6[%dma_wait3A_63, %dma_wait3A_64] : memref<8x128xi32, #tpu.memory_space<vmem>> -> memref<2x128xi32, #tpu.memory_space<vmem>>
          %dma_wait3A_66 = arith.constant 6248 : i32
          %dma_wait3A_67 = arith.constant 0 : i32
          %dma_wait3A_68 = tpu.memref_slice %arg3[%dma_wait3A_66, %dma_wait3A_67] : memref<6250x128xi32, #tpu.memory_space<hbm>> -> memref<2x128xi32, #tpu.memory_space<hbm>>
          tpu.wait_dma2 semaphore(%run_scoped3A_46 : memref<!tpu.dma_semaphore, #tpu.memory_space<semaphore_mem>>) src(%dma_wait3A_68 : memref<2x128xi32, #tpu.memory_space<hbm>>) dst(%dma_wait3A_65 : memref<2x128xi32, #tpu.memory_space<vmem>>)
          tpu.yield
        }) : () -> ()
        %run_scoped3A = arith.constant 0 : i32
        "tpu.region"() ({
          %run_scoped3A_46 = tpu.sem_alloc : memref<!tpu.dma_semaphore, #tpu.memory_space<semaphore_mem>>
          %dma_start3A = arith.constant 0 : i32
          %dma_start3A_47 = arith.constant 0 : i32
          %dma_start3A_48 = tpu.memref_slice %arg5[%dma_start3A, %dma_start3A_47] : memref<1024x32xbf16, #tpu.memory_space<vmem>> -> memref<128x32xbf16, #tpu.memory_space<vmem>>
          %dma_start3A_49 = arith.constant 0 : i32
          %dma_start3A_50 = tpu.memref_slice %arg6[%run_scoped3A, %dma_start3A_49] : memref<8x128xi32, #tpu.memory_space<vmem>> -> memref<1x128xi32, #tpu.memory_space<vmem>>
          %dma_start3A_51 = tpu.memref_squeeze %dma_start3A_50 : memref<1x128xi32, #tpu.memory_space<vmem>> -> memref<128xi32, #tpu.memory_space<vmem>>
          %dma_start3A_52 = arith.constant 0 : i32
          %dma_start3A_53 = arith.constant 0 : i32
          %dma_start3A_54 = tpu.memref_slice %arg8[%dma_start3A_52, %dma_start3A_53] : memref<50000x32xbf16, #tpu.memory_space<vmem_shared>> -> memref<50000x32xbf16, #tpu.memory_space<vmem_shared>>
          tpu.enqueue_indirect_dma source(%dma_start3A_48 : memref<128x32xbf16, #tpu.memory_space<vmem>>) target(%dma_start3A_54 : memref<50000x32xbf16, #tpu.memory_space<vmem_shared>>) offsets(%dma_start3A_51 : memref<128xi32, #tpu.memory_space<vmem>>) semaphore(%run_scoped3A_46 : memref<!tpu.dma_semaphore, #tpu.memory_space<semaphore_mem>>) {add = true}
          %dma_wait3A = arith.constant 0 : i32
          %dma_wait3A_55 = arith.constant 0 : i32
          %dma_wait3A_56 = tpu.memref_slice %arg5[%dma_wait3A, %dma_wait3A_55] : memref<1024x32xbf16, #tpu.memory_space<vmem>> -> memref<128x32xbf16, #tpu.memory_space<vmem>>
          %dma_wait3A_57 = arith.constant 0 : i32
          %dma_wait3A_58 = tpu.memref_slice %arg6[%run_scoped3A, %dma_wait3A_57] : memref<8x128xi32, #tpu.memory_space<vmem>> -> memref<1x128xi32, #tpu.memory_space<vmem>>
          %dma_wait3A_59 = tpu.memref_squeeze %dma_wait3A_58 : memref<1x128xi32, #tpu.memory_space<vmem>> -> memref<128xi32, #tpu.memory_space<vmem>>
          %dma_wait3A_60 = arith.constant 0 : i32
          %dma_wait3A_61 = arith.constant 0 : i32
          %dma_wait3A_62 = tpu.memref_slice %arg8[%dma_wait3A_60, %dma_wait3A_61] : memref<50000x32xbf16, #tpu.memory_space<vmem_shared>> -> memref<50000x32xbf16, #tpu.memory_space<vmem_shared>>
          tpu.wait_indirect_dma semaphore(%run_scoped3A_46 : memref<!tpu.dma_semaphore, #tpu.memory_space<semaphore_mem>>) src(%dma_wait3A_56 : memref<128x32xbf16, #tpu.memory_space<vmem>>) dst(%dma_wait3A_62 : memref<50000x32xbf16, #tpu.memory_space<vmem_shared>>)
          tpu.yield
        }) : () -> ()
        %run_scoped3A_45 = arith.constant 1 : i32
        "tpu.region"() ({
          %run_scoped3A_46 = tpu.sem_alloc : memref<!tpu.dma_semaphore, #tpu.memory_space<semaphore_mem>>
          %dma_start3A = arith.constant 128 : i32
          %dma_start3A_47 = arith.constant 0 : i32
          %dma_start3A_48 = tpu.memref_slice %arg5[%dma_start3A, %dma_start3A_47] : memref<1024x32xbf16, #tpu.memory_space<vmem>> -> memref<128x32xbf16, #tpu.memory_space<vmem>>
          %dma_start3A_49 = arith.constant 0 : i32
          %dma_start3A_50 = tpu.memref_slice %arg6[%run_scoped3A_45, %dma_start3A_49] : memref<8x128xi32, #tpu.memory_space<vmem>> -> memref<1x128xi32, #tpu.memory_space<vmem>>
          %dma_start3A_51 = tpu.memref_squeeze %dma_start3A_50 : memref<1x128xi32, #tpu.memory_space<vmem>> -> memref<128xi32, #tpu.memory_space<vmem>>
          %dma_start3A_52 = arith.constant 0 : i32
          %dma_start3A_53 = arith.constant 0 : i32
          %dma_start3A_54 = tpu.memref_slice %arg8[%dma_start3A_52, %dma_start3A_53] : memref<50000x32xbf16, #tpu.memory_space<vmem_shared>> -> memref<50000x32xbf16, #tpu.memory_space<vmem_shared>>
          tpu.enqueue_indirect_dma source(%dma_start3A_48 : memref<128x32xbf16, #tpu.memory_space<vmem>>) target(%dma_start3A_54 : memref<50000x32xbf16, #tpu.memory_space<vmem_shared>>) offsets(%dma_start3A_51 : memref<128xi32, #tpu.memory_space<vmem>>) semaphore(%run_scoped3A_46 : memref<!tpu.dma_semaphore, #tpu.memory_space<semaphore_mem>>) {add = true}
          %dma_wait3A = arith.constant 128 : i32
          %dma_wait3A_55 = arith.constant 0 : i32
          %dma_wait3A_56 = tpu.memref_slice %arg5[%dma_wait3A, %dma_wait3A_55] : memref<1024x32xbf16, #tpu.memory_space<vmem>> -> memref<128x32xbf16, #tpu.memory_space<vmem>>
          %dma_wait3A_57 = arith.constant 0 : i32
          %dma_wait3A_58 = tpu.memref_slice %arg6[%run_scoped3A_45, %dma_wait3A_57] : memref<8x128xi32, #tpu.memory_space<vmem>> -> memref<1x128xi32, #tpu.memory_space<vmem>>
          %dma_wait3A_59 = tpu.memref_squeeze %dma_wait3A_58 : memref<1x128xi32, #tpu.memory_space<vmem>> -> memref<128xi32, #tpu.memory_space<vmem>>
          %dma_wait3A_60 = arith.constant 0 : i32
          %dma_wait3A_61 = arith.constant 0 : i32
          %dma_wait3A_62 = tpu.memref_slice %arg8[%dma_wait3A_60, %dma_wait3A_61] : memref<50000x32xbf16, #tpu.memory_space<vmem_shared>> -> memref<50000x32xbf16, #tpu.memory_space<vmem_shared>>
          tpu.wait_indirect_dma semaphore(%run_scoped3A_46 : memref<!tpu.dma_semaphore, #tpu.memory_space<semaphore_mem>>) src(%dma_wait3A_56 : memref<128x32xbf16, #tpu.memory_space<vmem>>) dst(%dma_wait3A_62 : memref<50000x32xbf16, #tpu.memory_space<vmem_shared>>)
          tpu.yield
        }) : () -> ()
      } else {
      }
      %scan3A_44 = arith.constant 0 : i32
      scf.yield %scan3A_44 : i32
    }
    %scan3A_20 = arith.constant 49 : i32
    %barrier3A_21 = arith.constant 0 : index
    tpu.barrier barrier_id(%barrier3A_21)
    %iota3A = tpu.iota {dimensions = array<i32: 0>} : vector<16xi32>
    %mul3A = arith.constant 2 : i32
    %mul3A_22 = vector.broadcast %mul3A : i32 to vector<16xi32>
    %mul3A_23 = arith.muli %iota3A, %mul3A_22 : vector<16xi32>
    %add3A = arith.constant 1 : i32
    %add3A_24 = vector.broadcast %add3A : i32 to vector<16xi32>
    %add3A_25 = arith.addi %mul3A_23, %add3A_24 : vector<16xi32>
    %scan3A_26 = arith.constant 0 : i32
    %scan3A_27 = arith.constant 0 : i32
    %scan3A_28 = arith.constant 8 : i32
    %scan3A_29 = arith.addi %scan3A_27, %scan3A_28 : i32
    %scan3A_30 = arith.constant 1 : i32
    %scan3A_31 = scf.for %scan3A_33 = %scan3A_27 to %scan3A_29 step %scan3A_30 iter_args(%scan3A_34 = %scan3A_26) -> (i32)  : i32 {
      %mul3A_35 = arith.constant 16 : i32
      %mul3A_36 = arith.muli %mul3A_35, %scan3A_33 : i32
      %add3A_37 = arith.addi %arg1, %mul3A_36 : i32
      %lt3A = arith.constant 125 : i32
      %lt3A_38 = arith.cmpi slt, %add3A_37, %lt3A : i32
      %convert_element_type3A = arith.extui %lt3A_38 : i1 to i32
      %cond3A = arith.constant 0 : i32
      %cond3A_39 = arith.cmpi ne, %convert_element_type3A, %cond3A : i32
      scf.if %cond3A_39 {
        %mul3A_41 = arith.constant 400 : i32
        %mul3A_42 = arith.muli %add3A_37, %mul3A_41 : i32
        %multiple_of3A = tpu.assume_multiple %mul3A_42, 8 : i32
        "tpu.region"() ({
          %run_scoped3A = tpu.sem_alloc : memref<!tpu.dma_semaphore, #tpu.memory_space<semaphore_mem>>
          %dma_start3A = arith.constant 0 : i32
          %dma_start3A_59 = arith.constant 0 : i32
          %dma_start3A_60 = tpu.memref_slice %arg5[%dma_start3A, %dma_start3A_59] : memref<1024x32xbf16, #tpu.memory_space<vmem>> -> memref<400x32xbf16, #tpu.memory_space<vmem>>
          %dma_start3A_61 = arith.constant 0 : i32
          %dma_start3A_62 = tpu.memref_slice %arg8[%multiple_of3A, %dma_start3A_61] : memref<50000x32xbf16, #tpu.memory_space<vmem_shared>> -> memref<400x32xbf16, #tpu.memory_space<vmem_shared>>
          %dma_start3A_63 = arith.constant 0 : i32
          %dma_start3A_64 = arith.constant 0 : i32
          %dma_start3A_65 = tpu.memref_slice %arg5[%dma_start3A_63, %dma_start3A_64] : memref<1024x32xbf16, #tpu.memory_space<vmem>> -> memref<400x32xbf16, #tpu.memory_space<vmem>>
          %dma_start3A_66 = arith.constant 0 : i32
          %dma_start3A_67 = tpu.memref_slice %arg8[%multiple_of3A, %dma_start3A_66] : memref<50000x32xbf16, #tpu.memory_space<vmem_shared>> -> memref<400x32xbf16, #tpu.memory_space<vmem_shared>>
          tpu.enqueue_dma source(%dma_start3A_67 : memref<400x32xbf16, #tpu.memory_space<vmem_shared>>) target(%dma_start3A_65 : memref<400x32xbf16, #tpu.memory_space<vmem>>) target_semaphore(%run_scoped3A : memref<!tpu.dma_semaphore, #tpu.memory_space<semaphore_mem>>)
          %dma_wait3A = arith.constant 0 : i32
          %dma_wait3A_68 = arith.constant 0 : i32
          %dma_wait3A_69 = tpu.memref_slice %arg5[%dma_wait3A, %dma_wait3A_68] : memref<1024x32xbf16, #tpu.memory_space<vmem>> -> memref<400x32xbf16, #tpu.memory_space<vmem>>
          %dma_wait3A_70 = arith.constant 0 : i32
          %dma_wait3A_71 = tpu.memref_slice %arg8[%multiple_of3A, %dma_wait3A_70] : memref<50000x32xbf16, #tpu.memory_space<vmem_shared>> -> memref<400x32xbf16, #tpu.memory_space<vmem_shared>>
          %dma_wait3A_72 = arith.constant 0 : i32
          %dma_wait3A_73 = arith.constant 0 : i32
          %dma_wait3A_74 = tpu.memref_slice %arg5[%dma_wait3A_72, %dma_wait3A_73] : memref<1024x32xbf16, #tpu.memory_space<vmem>> -> memref<400x32xbf16, #tpu.memory_space<vmem>>
          %dma_wait3A_75 = arith.constant 0 : i32
          %dma_wait3A_76 = tpu.memref_slice %arg8[%multiple_of3A, %dma_wait3A_75] : memref<50000x32xbf16, #tpu.memory_space<vmem_shared>> -> memref<400x32xbf16, #tpu.memory_space<vmem_shared>>
          tpu.wait_dma2 semaphore(%run_scoped3A : memref<!tpu.dma_semaphore, #tpu.memory_space<semaphore_mem>>) src(%dma_wait3A_76 : memref<400x32xbf16, #tpu.memory_space<vmem_shared>>) dst(%dma_wait3A_74 : memref<400x32xbf16, #tpu.memory_space<vmem>>)
          tpu.yield
        }) : () -> ()
        %scan3A_43 = arith.constant 0 : i32
        %scan3A_44 = arith.constant 0 : i32
        %scan3A_45 = arith.constant 400 : i32
        %scan3A_46 = arith.addi %scan3A_44, %scan3A_45 : i32
        %scan3A_47 = arith.constant 1 : i32
        %scan3A_48 = scf.for %scan3A_59 = %scan3A_44 to %scan3A_46 step %scan3A_47 iter_args(%scan3A_60 = %scan3A_43) -> (i32)  : i32 {
          %get3A = arith.index_cast %scan3A_59 : i32 to index
          %get3A_61 = arith.constant 0 : index
          %get3A_62 = tpu.vector_load %arg5[%get3A, %get3A_61] {strides = array<i32>} : memref<1024x32xbf16, #tpu.memory_space<vmem>>, vector<32xbf16>,
          %bitcast3A = vector.bitcast %get3A_62 : vector<32xbf16> to vector<16xi32>
          %shift_left3A = arith.constant 16 : i32
          %shift_left3A_63 = vector.broadcast %shift_left3A : i32 to vector<16xi32>
          %shift_left3A_64 = arith.shli %bitcast3A, %shift_left3A_63 : vector<16xi32>
          %bitcast3A_65 = vector.bitcast %shift_left3A_64 : vector<16xi32> to vector<16xf32>
          %and3A = arith.constant -65536 : i32
          %and3A_66 = vector.broadcast %and3A : i32 to vector<16xi32>
          %and3A_67 = arith.andi %bitcast3A, %and3A_66 : vector<16xi32>
          %bitcast3A_68 = vector.bitcast %and3A_67 : vector<16xi32> to vector<16xf32>
          %shift_right_arithmetic3A = arith.constant 1 : i32
          %shift_right_arithmetic3A_69 = arith.shrsi %scan3A_59, %shift_right_arithmetic3A : i32
          %and3A_70 = arith.constant 1 : i32
          %and3A_71 = arith.andi %scan3A_59, %and3A_70 : i32
          %mul3A_72 = arith.constant 200 : i32
          %mul3A_73 = arith.muli %and3A_71, %mul3A_72 : i32
          %add3A_74 = arith.addi %shift_right_arithmetic3A_69, %mul3A_73 : i32
          %broadcast_in_dim3A_75 = vector.broadcast %add3A_74 : i32 to vector<16xi32>
          tpu.vector_store_idx %arg7[%broadcast_in_dim3A_75, %mul3A_23], %bitcast3A_65 : memref<400x32xf32, #tpu.memory_space<vmem>>[vector<16xi32>, vector<16xi32>], vector<16xf32>,
          tpu.vector_store_idx %arg7[%broadcast_in_dim3A_75, %add3A_25], %bitcast3A_68 : memref<400x32xf32, #tpu.memory_space<vmem>>[vector<16xi32>, vector<16xi32>], vector<16xf32>,
          %scan3A_76 = arith.constant 0 : i32
          scf.yield %scan3A_76 : i32
        }
        %scan3A_49 = arith.constant 400 : i32
        %mul3A_50 = arith.constant 200 : i32
        %mul3A_51 = arith.muli %add3A_37, %mul3A_50 : i32
        %multiple_of3A_52 = tpu.assume_multiple %mul3A_51, 8 : i32
        %mul3A_53 = arith.constant 32 : i32
        %mul3A_54 = arith.muli %arg0, %mul3A_53 : i32
        "tpu.region"() ({
          %run_scoped3A = tpu.sem_alloc : memref<!tpu.dma_semaphore, #tpu.memory_space<semaphore_mem>>
          %dma_start3A = arith.constant 0 : i32
          %dma_start3A_59 = arith.constant 0 : i32
          %dma_start3A_60 = tpu.memref_slice %arg7[%dma_start3A, %dma_start3A_59] : memref<400x32xf32, #tpu.memory_space<vmem>> -> memref<200x32xf32, #tpu.memory_space<vmem>>
          %dma_start3A_61 = tpu.memref_slice %arg4[%multiple_of3A_52, %mul3A_54] : memref<25000x128xf32, #tpu.memory_space<hbm>> -> memref<200x32xf32, #tpu.memory_space<hbm>>
          %dma_start3A_62 = tpu.memref_slice %arg4[%multiple_of3A_52, %mul3A_54] : memref<25000x128xf32, #tpu.memory_space<hbm>> -> memref<200x32xf32, #tpu.memory_space<hbm>>
          %dma_start3A_63 = arith.constant 0 : i32
          %dma_start3A_64 = arith.constant 0 : i32
          %dma_start3A_65 = tpu.memref_slice %arg7[%dma_start3A_63, %dma_start3A_64] : memref<400x32xf32, #tpu.memory_space<vmem>> -> memref<200x32xf32, #tpu.memory_space<vmem>>
          tpu.enqueue_dma source(%dma_start3A_65 : memref<200x32xf32, #tpu.memory_space<vmem>>) target(%dma_start3A_62 : memref<200x32xf32, #tpu.memory_space<hbm>>) target_semaphore(%run_scoped3A : memref<!tpu.dma_semaphore, #tpu.memory_space<semaphore_mem>>)
          %dma_wait3A = arith.constant 0 : i32
          %dma_wait3A_66 = arith.constant 0 : i32
          %dma_wait3A_67 = tpu.memref_slice %arg7[%dma_wait3A, %dma_wait3A_66] : memref<400x32xf32, #tpu.memory_space<vmem>> -> memref<200x32xf32, #tpu.memory_space<vmem>>
          %dma_wait3A_68 = tpu.memref_slice %arg4[%multiple_of3A_52, %mul3A_54] : memref<25000x128xf32, #tpu.memory_space<hbm>> -> memref<200x32xf32, #tpu.memory_space<hbm>>
          %dma_wait3A_69 = tpu.memref_slice %arg4[%multiple_of3A_52, %mul3A_54] : memref<25000x128xf32, #tpu.memory_space<hbm>> -> memref<200x32xf32, #tpu.memory_space<hbm>>
          %dma_wait3A_70 = arith.constant 0 : i32
          %dma_wait3A_71 = arith.constant 0 : i32
          %dma_wait3A_72 = tpu.memref_slice %arg7[%dma_wait3A_70, %dma_wait3A_71] : memref<400x32xf32, #tpu.memory_space<vmem>> -> memref<200x32xf32, #tpu.memory_space<vmem>>
          tpu.wait_dma2 semaphore(%run_scoped3A : memref<!tpu.dma_semaphore, #tpu.memory_space<semaphore_mem>>) src(%dma_wait3A_72 : memref<200x32xf32, #tpu.memory_space<vmem>>) dst(%dma_wait3A_69 : memref<200x32xf32, #tpu.memory_space<hbm>>)
          tpu.yield
        }) : () -> ()
        %mul3A_55 = arith.constant 32 : i32
        %mul3A_56 = arith.muli %arg0, %mul3A_55 : i32
        %add3A_57 = arith.constant 64 : i32
        %add3A_58 = arith.addi %add3A_57, %mul3A_56 : i32
        "tpu.region"() ({
          %run_scoped3A = tpu.sem_alloc : memref<!tpu.dma_semaphore, #tpu.memory_space<semaphore_mem>>
          %dma_start3A = arith.constant 200 : i32
          %dma_start3A_59 = arith.constant 0 : i32
          %dma_start3A_60 = tpu.memref_slice %arg7[%dma_start3A, %dma_start3A_59] : memref<400x32xf32, #tpu.memory_space<vmem>> -> memref<200x32xf32, #tpu.memory_space<vmem>>
          %dma_start3A_61 = tpu.memref_slice %arg4[%multiple_of3A_52, %add3A_58] : memref<25000x128xf32, #tpu.memory_space<hbm>> -> memref<200x32xf32, #tpu.memory_space<hbm>>
          %dma_start3A_62 = tpu.memref_slice %arg4[%multiple_of3A_52, %add3A_58] : memref<25000x128xf32, #tpu.memory_space<hbm>> -> memref<200x32xf32, #tpu.memory_space<hbm>>
          %dma_start3A_63 = arith.constant 200 : i32
          %dma_start3A_64 = arith.constant 0 : i32
          %dma_start3A_65 = tpu.memref_slice %arg7[%dma_start3A_63, %dma_start3A_64] : memref<400x32xf32, #tpu.memory_space<vmem>> -> memref<200x32xf32, #tpu.memory_space<vmem>>
          tpu.enqueue_dma source(%dma_start3A_65 : memref<200x32xf32, #tpu.memory_space<vmem>>) target(%dma_start3A_62 : memref<200x32xf32, #tpu.memory_space<hbm>>) target_semaphore(%run_scoped3A : memref<!tpu.dma_semaphore, #tpu.memory_space<semaphore_mem>>)
          %dma_wait3A = arith.constant 200 : i32
          %dma_wait3A_66 = arith.constant 0 : i32
          %dma_wait3A_67 = tpu.memref_slice %arg7[%dma_wait3A, %dma_wait3A_66] : memref<400x32xf32, #tpu.memory_space<vmem>> -> memref<200x32xf32, #tpu.memory_space<vmem>>
          %dma_wait3A_68 = tpu.memref_slice %arg4[%multiple_of3A_52, %add3A_58] : memref<25000x128xf32, #tpu.memory_space<hbm>> -> memref<200x32xf32, #tpu.memory_space<hbm>>
          %dma_wait3A_69 = tpu.memref_slice %arg4[%multiple_of3A_52, %add3A_58] : memref<25000x128xf32, #tpu.memory_space<hbm>> -> memref<200x32xf32, #tpu.memory_space<hbm>>
          %dma_wait3A_70 = arith.constant 200 : i32
          %dma_wait3A_71 = arith.constant 0 : i32
          %dma_wait3A_72 = tpu.memref_slice %arg7[%dma_wait3A_70, %dma_wait3A_71] : memref<400x32xf32, #tpu.memory_space<vmem>> -> memref<200x32xf32, #tpu.memory_space<vmem>>
          tpu.wait_dma2 semaphore(%run_scoped3A : memref<!tpu.dma_semaphore, #tpu.memory_space<semaphore_mem>>) src(%dma_wait3A_72 : memref<200x32xf32, #tpu.memory_space<vmem>>) dst(%dma_wait3A_69 : memref<200x32xf32, #tpu.memory_space<hbm>>)
          tpu.yield
        }) : () -> ()
      } else {
      }
      %scan3A_40 = arith.constant 0 : i32
      scf.yield %scan3A_40 : i32
    }
    %scan3A_32 = arith.constant 8 : i32
    return
  }
}

module attributes {stable_mosaic.version = 14 : i64} {
  func.func @_edge_body(%arg0: i32, %arg1: memref<8192x16xf32, #tpu.memory_space<vmem>>, %arg2: memref<8192x4xf32, #tpu.memory_space<vmem>>, %arg3: memref<16x32xf32, #tpu.memory_space<vmem>>, %arg4: memref<1x32xf32, #tpu.memory_space<vmem>>, %arg5: memref<32x32xf32, #tpu.memory_space<vmem>>, %arg6: memref<1x32xf32, #tpu.memory_space<vmem>>, %arg7: memref<32x64xf32, #tpu.memory_space<vmem>>, %arg8: memref<1x64xf32, #tpu.memory_space<vmem>>, %arg9: memref<2x8192x32xbf16, #tpu.memory_space<vmem>>) attributes {dimension_semantics = [#tpu.dimension_semantics<arbitrary>], iteration_bounds = array<i64: 98>, scalar_prefetch = 0 : i64, scratch_operands = 0 : i64, tpu.core_type = #tpu.core_type<tc>, window_params = [{transform_indices = @transform_0, window_bounds = array<i64: 8192, 16>}, {transform_indices = @transform_1, window_bounds = array<i64: 8192, 4>}, {pipeline_mode = #tpu.pipeline_mode<synchronous>, transform_indices = @transform_2, window_bounds = array<i64: 16, 32>}, {pipeline_mode = #tpu.pipeline_mode<synchronous>, transform_indices = @transform_3, window_bounds = array<i64: 1, 32>}, {pipeline_mode = #tpu.pipeline_mode<synchronous>, transform_indices = @transform_4, window_bounds = array<i64: 32, 32>}, {pipeline_mode = #tpu.pipeline_mode<synchronous>, transform_indices = @transform_5, window_bounds = array<i64: 1, 32>}, {pipeline_mode = #tpu.pipeline_mode<synchronous>, transform_indices = @transform_6, window_bounds = array<i64: 32, 64>}, {pipeline_mode = #tpu.pipeline_mode<synchronous>, transform_indices = @transform_7, window_bounds = array<i64: 1, 64>}, {transform_indices = @transform_8, window_bounds = array<i64: 2, 8192, 32>}]} {
    %get3A = arith.constant 0 : index
    %get3A_0 = arith.constant 0 : index
    %get3A_1 = vector.load %arg1[%get3A, %get3A_0] : memref<8192x16xf32, #tpu.memory_space<vmem>>, vector<8192x16xf32>
    %get3A_2 = arith.constant 0 : index
    %get3A_3 = arith.constant 0 : index
    %get3A_4 = vector.load %arg2[%get3A_2, %get3A_3] : memref<8192x4xf32, #tpu.memory_space<vmem>>, vector<8192x4xf32>
    %get3A_5 = arith.constant 0 : index
    %get3A_6 = arith.constant 0 : index
    %get3A_7 = vector.load %arg3[%get3A_5, %get3A_6] : memref<16x32xf32, #tpu.memory_space<vmem>>, vector<16x32xf32>
    %dot_general3A = arith.constant dense<0.000000e+00> : vector<8192x32xf32>
    %dot_general3A_8 = tpu.matmul %get3A_1, %get3A_7, %dot_general3A {dimension_numbers = #tpu.dot_dimension_numbers<[1], [0], [0], [1], [0, 0, 1, 1], [], []>, transpose_lhs_hint = false} : vector<8192x16xf32>, vector<16x32xf32>, vector<8192x32xf32> -> vector<8192x32xf32>
    %get3A_9 = arith.constant 0 : index
    %get3A_10 = arith.constant 0 : index
    %get3A_11 = vector.load %arg4[%get3A_9, %get3A_10] : memref<1x32xf32, #tpu.memory_space<vmem>>, vector<1x32xf32>
    %add3A = vector.broadcast %get3A_11 : vector<1x32xf32> to vector<8192x32xf32>
    %add3A_12 = arith.addf %dot_general3A_8, %add3A : vector<8192x32xf32>
    %logistic3A = arith.negf %add3A_12 : vector<8192x32xf32>
    %logistic3A_13 = math.exp %logistic3A : vector<8192x32xf32>
    %logistic3A_14 = arith.constant 1.000000e+00 : f32
    %logistic3A_15 = vector.broadcast %logistic3A_14 : f32 to vector<8192x32xf32>
    %logistic3A_16 = arith.addf %logistic3A_15, %logistic3A_13 : vector<8192x32xf32>
    %logistic3A_17 = arith.divf %logistic3A_15, %logistic3A_16 : vector<8192x32xf32>
    %mul3A = arith.mulf %add3A_12, %logistic3A_17 : vector<8192x32xf32>
    %get3A_18 = arith.constant 0 : index
    %get3A_19 = arith.constant 0 : index
    %get3A_20 = vector.load %arg5[%get3A_18, %get3A_19] : memref<32x32xf32, #tpu.memory_space<vmem>>, vector<32x32xf32>
    %dot_general3A_21 = arith.constant dense<0.000000e+00> : vector<8192x32xf32>
    %dot_general3A_22 = tpu.matmul %mul3A, %get3A_20, %dot_general3A_21 {dimension_numbers = #tpu.dot_dimension_numbers<[1], [0], [0], [1], [0, 0, 1, 1], [], []>, transpose_lhs_hint = false} : vector<8192x32xf32>, vector<32x32xf32>, vector<8192x32xf32> -> vector<8192x32xf32>
    %get3A_23 = arith.constant 0 : index
    %get3A_24 = arith.constant 0 : index
    %get3A_25 = vector.load %arg6[%get3A_23, %get3A_24] : memref<1x32xf32, #tpu.memory_space<vmem>>, vector<1x32xf32>
    %add3A_26 = vector.broadcast %get3A_25 : vector<1x32xf32> to vector<8192x32xf32>
    %add3A_27 = arith.addf %dot_general3A_22, %add3A_26 : vector<8192x32xf32>
    %logistic3A_28 = arith.negf %add3A_27 : vector<8192x32xf32>
    %logistic3A_29 = math.exp %logistic3A_28 : vector<8192x32xf32>
    %logistic3A_30 = arith.constant 1.000000e+00 : f32
    %logistic3A_31 = vector.broadcast %logistic3A_30 : f32 to vector<8192x32xf32>
    %logistic3A_32 = arith.addf %logistic3A_31, %logistic3A_29 : vector<8192x32xf32>
    %logistic3A_33 = arith.divf %logistic3A_31, %logistic3A_32 : vector<8192x32xf32>
    %mul3A_34 = arith.mulf %add3A_27, %logistic3A_33 : vector<8192x32xf32>
    %get3A_35 = arith.constant 0 : index
    %get3A_36 = arith.constant 0 : index
    %get3A_37 = vector.load %arg7[%get3A_35, %get3A_36] : memref<32x64xf32, #tpu.memory_space<vmem>>, vector<32x64xf32>
    %dot_general3A_38 = arith.constant dense<0.000000e+00> : vector<8192x64xf32>
    %dot_general3A_39 = tpu.matmul %mul3A_34, %get3A_37, %dot_general3A_38 {dimension_numbers = #tpu.dot_dimension_numbers<[1], [0], [0], [1], [0, 0, 1, 1], [], []>, transpose_lhs_hint = false} : vector<8192x32xf32>, vector<32x64xf32>, vector<8192x64xf32> -> vector<8192x64xf32>
    %get3A_40 = arith.constant 0 : index
    %get3A_41 = arith.constant 0 : index
    %get3A_42 = vector.load %arg8[%get3A_40, %get3A_41] : memref<1x64xf32, #tpu.memory_space<vmem>>, vector<1x64xf32>
    %add3A_43 = vector.broadcast %get3A_42 : vector<1x64xf32> to vector<8192x64xf32>
    %add3A_44 = arith.addf %dot_general3A_39, %add3A_43 : vector<8192x64xf32>
    %iota3A = tpu.iota {dimensions = array<i32: 1>} : vector<16x64xi32>
    %iota3A_45 = tpu.iota {dimensions = array<i32: 0>} : vector<16x64xi32>
    %jit3A = arith.constant 4 : i32
    %div3A = vector.broadcast %jit3A : i32 to vector<16x64xi32>
    %div3A_46 = arith.divsi %iota3A, %div3A : vector<16x64xi32>
    %sign3A = arith.constant 0 : i32
    %sign3A_47 = vector.broadcast %sign3A : i32 to vector<16x64xi32>
    %sign3A_48 = arith.cmpi sgt, %iota3A, %sign3A_47 : vector<16x64xi32>
    %sign3A_49 = arith.extui %sign3A_48 : vector<16x64xi1> to vector<16x64xi32>
    %sign3A_50 = arith.constant 0 : i32
    %sign3A_51 = vector.broadcast %sign3A_50 : i32 to vector<16x64xi32>
    %sign3A_52 = arith.cmpi slt, %iota3A, %sign3A_51 : vector<16x64xi32>
    %sign3A_53 = arith.extui %sign3A_52 : vector<16x64xi1> to vector<16x64xi32>
    %sign3A_54 = arith.subi %sign3A_49, %sign3A_53 : vector<16x64xi32>
    %sign3A_55 = arith.constant 0 : i32
    %sign3A_56 = arith.cmpi sgt, %jit3A, %sign3A_55 : i32
    %sign3A_57 = arith.extui %sign3A_56 : i1 to i32
    %sign3A_58 = arith.constant 0 : i32
    %sign3A_59 = arith.cmpi slt, %jit3A, %sign3A_58 : i32
    %sign3A_60 = arith.extui %sign3A_59 : i1 to i32
    %sign3A_61 = arith.subi %sign3A_57, %sign3A_60 : i32
    %ne3A = vector.broadcast %sign3A_61 : i32 to vector<16x64xi32>
    %ne3A_62 = arith.cmpi ne, %sign3A_54, %ne3A : vector<16x64xi32>
    %rem3A = vector.broadcast %jit3A : i32 to vector<16x64xi32>
    %rem3A_63 = arith.remsi %iota3A, %rem3A : vector<16x64xi32>
    %ne3A_64 = arith.constant 0 : i32
    %ne3A_65 = vector.broadcast %ne3A_64 : i32 to vector<16x64xi32>
    %ne3A_66 = arith.cmpi ne, %rem3A_63, %ne3A_65 : vector<16x64xi32>
    %and3A = arith.andi %ne3A_62, %ne3A_66 : vector<16x64xi1>
    %sub3A = arith.constant 1 : i32
    %sub3A_67 = vector.broadcast %sub3A : i32 to vector<16x64xi32>
    %sub3A_68 = arith.subi %div3A_46, %sub3A_67 : vector<16x64xi32>
    %select_n3A = arith.select %and3A, %sub3A_68, %div3A_46 : vector<16x64xi1>, vector<16x64xi32>
    %eq3A = arith.cmpi eq, %select_n3A, %iota3A_45 : vector<16x64xi32>
    %convert_element_type3A = arith.extui %eq3A : vector<16x64xi1> to vector<16x64xi32>
    %convert_element_type3A_69 = arith.sitofp %convert_element_type3A : vector<16x64xi32> to vector<16x64xf32>
    %iota3A_70 = tpu.iota {dimensions = array<i32: 1>} : vector<4x64xi32>
    %iota3A_71 = tpu.iota {dimensions = array<i32: 0>} : vector<4x64xi32>
    %jit3A_72 = arith.constant 4 : i32
    %eq3A_73 = arith.constant 0 : i32
    %eq3A_74 = arith.cmpi eq, %jit3A_72, %eq3A_73 : i32
    %jit3A_75 = arith.constant 1 : i32
    %select_n3A_76 = arith.select %eq3A_74, %jit3A_75, %jit3A_72 : i32
    %rem3A_77 = vector.broadcast %select_n3A_76 : i32 to vector<4x64xi32>
    %rem3A_78 = arith.remsi %iota3A_70, %rem3A_77 : vector<4x64xi32>
    %ne3A_79 = arith.constant 0 : i32
    %ne3A_80 = vector.broadcast %ne3A_79 : i32 to vector<4x64xi32>
    %ne3A_81 = arith.cmpi ne, %rem3A_78, %ne3A_80 : vector<4x64xi32>
    %lt3A = arith.constant 0 : i32
    %lt3A_82 = vector.broadcast %lt3A : i32 to vector<4x64xi32>
    %lt3A_83 = arith.cmpi slt, %rem3A_78, %lt3A_82 : vector<4x64xi32>
    %lt3A_84 = arith.constant 0 : i32
    %lt3A_85 = arith.cmpi slt, %select_n3A_76, %lt3A_84 : i32
    %ne3A_86 = vector.broadcast %lt3A_85 : i1 to vector<4x64xi1>
    %ne3A_87 = vector.broadcast %ne3A_86 : vector<4x64xi1> to vector<4x64xi1>
    %ne3A_88 = arith.xori %lt3A_83, %ne3A_87 : vector<4x64xi1>
    %and3A_89 = arith.andi %ne3A_88, %ne3A_81 : vector<4x64xi1>
    %add3A_90 = vector.broadcast %select_n3A_76 : i32 to vector<4x64xi32>
    %add3A_91 = arith.addi %rem3A_78, %add3A_90 : vector<4x64xi32>
    %select_n3A_92 = arith.select %and3A_89, %add3A_91, %rem3A_78 : vector<4x64xi1>, vector<4x64xi32>
    %eq3A_93 = arith.cmpi eq, %select_n3A_92, %iota3A_71 : vector<4x64xi32>
    %convert_element_type3A_94 = arith.extui %eq3A_93 : vector<4x64xi1> to vector<4x64xi32>
    %convert_element_type3A_95 = arith.sitofp %convert_element_type3A_94 : vector<4x64xi32> to vector<4x64xf32>
    %dot_general3A_96 = arith.constant dense<0.000000e+00> : vector<8192x64xf32>
    %dot_general3A_97 = tpu.matmul %get3A_1, %convert_element_type3A_69, %dot_general3A_96 {dimension_numbers = #tpu.dot_dimension_numbers<[1], [0], [0], [1], [0, 0, 1, 1], [], []>, transpose_lhs_hint = false} : vector<8192x16xf32>, vector<16x64xf32>, vector<8192x64xf32> -> vector<8192x64xf32>
    %dot_general3A_98 = arith.constant dense<0.000000e+00> : vector<8192x64xf32>
    %dot_general3A_99 = tpu.matmul %get3A_4, %convert_element_type3A_95, %dot_general3A_98 {dimension_numbers = #tpu.dot_dimension_numbers<[1], [0], [0], [1], [0, 0, 1, 1], [], []>, transpose_lhs_hint = false} : vector<8192x4xf32>, vector<4x64xf32>, vector<8192x64xf32> -> vector<8192x64xf32>
    %mul3A_100 = arith.mulf %dot_general3A_97, %dot_general3A_99 : vector<8192x64xf32>
    %mul3A_101 = arith.mulf %mul3A_100, %add3A_44 : vector<8192x64xf32>
    %convert_element_type3A_102 = arith.truncf %mul3A_101 : vector<8192x64xf32> to vector<8192x64xbf16>
    %slice3A = vector.extract_strided_slice %convert_element_type3A_102 {offsets = [0, 0], sizes = [8192, 32], strides = [1, 1]} : vector<8192x64xbf16> to vector<8192x32xbf16>
    %swap3A = arith.constant 0 : index
    %swap3A_103 = arith.constant 0 : index
    %swap3A_104 = arith.constant 0 : index
    %swap3A_105 = vector.load %arg9[%swap3A, %swap3A_103, %swap3A_104] : memref<2x8192x32xbf16, #tpu.memory_space<vmem>>, vector<1x8192x32xbf16>
    %swap3A_106 = vector.shape_cast %swap3A_105 : vector<1x8192x32xbf16> to vector<8192x32xbf16>
    %swap3A_107 = vector.shape_cast %slice3A : vector<8192x32xbf16> to vector<1x8192x32xbf16>
    tpu.vector_store %arg9[%swap3A, %swap3A_103, %swap3A_104], %swap3A_107 {strides = array<i32>} : memref<2x8192x32xbf16, #tpu.memory_space<vmem>>, vector<1x8192x32xbf16>,
    %slice3A_108 = vector.extract_strided_slice %convert_element_type3A_102 {offsets = [0, 32], sizes = [8192, 32], strides = [1, 1]} : vector<8192x64xbf16> to vector<8192x32xbf16>
    %swap3A_109 = arith.constant 1 : index
    %swap3A_110 = arith.constant 0 : index
    %swap3A_111 = arith.constant 0 : index
    %swap3A_112 = vector.load %arg9[%swap3A_109, %swap3A_110, %swap3A_111] : memref<2x8192x32xbf16, #tpu.memory_space<vmem>>, vector<1x8192x32xbf16>
    %swap3A_113 = vector.shape_cast %swap3A_112 : vector<1x8192x32xbf16> to vector<8192x32xbf16>
    %swap3A_114 = vector.shape_cast %slice3A_108 : vector<8192x32xbf16> to vector<1x8192x32xbf16>
    tpu.vector_store %arg9[%swap3A_109, %swap3A_110, %swap3A_111], %swap3A_114 {strides = array<i32>} : memref<2x8192x32xbf16, #tpu.memory_space<vmem>>, vector<1x8192x32xbf16>,
    return
  }
  func.func @transform_0(%arg0: i32) -> (i32, i32) {
    %c0_i32 = arith.constant 0 : i32
    %c0_i32_0 = arith.constant 0 : i32
    return %arg0, %c0_i32 : i32, i32
  }
  func.func @transform_1(%arg0: i32) -> (i32, i32) {
    %c0_i32 = arith.constant 0 : i32
    %c0_i32_0 = arith.constant 0 : i32
    return %arg0, %c0_i32 : i32, i32
  }
  func.func @transform_2(%arg0: i32) -> (i32, i32) {
    %c0_i32 = arith.constant 0 : i32
    %c0_i32_0 = arith.constant 0 : i32
    %c0_i32_1 = arith.constant 0 : i32
    return %c0_i32, %c0_i32_0 : i32, i32
  }
  func.func @transform_3(%arg0: i32) -> (i32, i32) {
    %c0_i32 = arith.constant 0 : i32
    %c0_i32_0 = arith.constant 0 : i32
    %c0_i32_1 = arith.constant 0 : i32
    return %c0_i32, %c0_i32_0 : i32, i32
  }
  func.func @transform_4(%arg0: i32) -> (i32, i32) {
    %c0_i32 = arith.constant 0 : i32
    %c0_i32_0 = arith.constant 0 : i32
    %c0_i32_1 = arith.constant 0 : i32
    return %c0_i32, %c0_i32_0 : i32, i32
  }
  func.func @transform_5(%arg0: i32) -> (i32, i32) {
    %c0_i32 = arith.constant 0 : i32
    %c0_i32_0 = arith.constant 0 : i32
    %c0_i32_1 = arith.constant 0 : i32
    return %c0_i32, %c0_i32_0 : i32, i32
  }
  func.func @transform_6(%arg0: i32) -> (i32, i32) {
    %c0_i32 = arith.constant 0 : i32
    %c0_i32_0 = arith.constant 0 : i32
    %c0_i32_1 = arith.constant 0 : i32
    return %c0_i32, %c0_i32_0 : i32, i32
  }
  func.func @transform_7(%arg0: i32) -> (i32, i32) {
    %c0_i32 = arith.constant 0 : i32
    %c0_i32_0 = arith.constant 0 : i32
    %c0_i32_1 = arith.constant 0 : i32
    return %c0_i32, %c0_i32_0 : i32, i32
  }
  func.func @transform_8(%arg0: i32) -> (i32, i32, i32) {
    %c0_i32 = arith.constant 0 : i32
    %c0_i32_0 = arith.constant 0 : i32
    %c0_i32_1 = arith.constant 0 : i32
    return %c0_i32, %arg0, %c0_i32_0 : i32, i32, i32
  }
}

</mosaic_0001>

<sc_bundles>
// kernel: kernel.4.cloned.1.call-start
scs
__scs_entry_jumppad:
0x0: {  	(pc) =	sbr.rel $0x88, $3  }
0x1: {  	(tag) =	ssettag $0x0;
	lr =	simm.s32 $0x1  }
0x2: {  	[smem:$0x3F98] =	sst lr;
	_ =	strace $0xD0000000  }
0x3: {  	_ = 	snop  }
0x4: {  	_ = 	snop  }
0x5: {  	_ = 	snop  }
0x6: {  	_ = 	snop  }
0x7: {  	_ = 	snop  }
__scs_overlays_trampoline_lowered:
0x8: {  	[smem:$0x3FA7] =	sst s0  }
0x9: {  	[smem:$0x3FA8] =	sst s1  }
0xa: {  	[smem:$0x3FA9] =	sst s2  }
0xb: {  	[smem:$0x3FAA] =	sst s3  }
0xc: {  	[smem:$0x3FAB] =	sst s4  }
0xd: {  	[smem:$0x3FAC] =	sst s5  }
0xe: {  	[smem:$0x3FAD] =	sst s6  }
0xf: {  	[smem:$0x3FAE] =	sst s7  }
0x10: {  	[smem:$0x3FAF] =	sst s8  }
0x11: {  	[smem:$0x3FB0] =	sst s9;
	s0 =	simm.s32 @!p0 $0x0  }
0x12: {  	s1 =	sld [smem:$0x3F96];
	s0 =	simm.s32 @p0 $0x1  }
0x13: {  	[smem:$0x3FB1] =	sst s0;
	s0 =	simm.s32 @!p1 $0x0  }
0x14: {  	s2 =	sld [smem:$0x3F95];
	s0 =	simm.s32 @p1 $0x1  }
0x15: {  	[smem:$0x3FB2] =	sst s0;
	s0 =	simm.s32 @!p2 $0x0  }
0x16: {  	s3 =	sld [smem:$0x3FDB];
	s0 =	simm.s32 @p2 $0x1  }
0x17: {  	s4 =	simm.s32 $0x1BF5;
	[smem:$0x3FB4] =	sst s0  }
0x18: {  	s0 =	sld [smem:$0x3F97];
	_ =	swait.ge [sflag:s4], $0x0  }
0x19: {  	s7 =	sld [smem:$0x3F98]  }
0x1a: {  	s8 =	sadd.s32 $0xFFFFE003, lr  }
0x1b: {  	s9 =	sadd.s32 $0xFFFFFEF7, lr;
	s5 =	simm.s32 $0xFFFFFFFF;
	p2 =	slt.u32 s8, $0xFFFFF086  }
0x1c: {  	p1 =	slt.u32 s9, $0xF7A;
	s5 =	simm.s32 @!p2 $0x0  }
0x1d: {  	s5 =	simm.s32 @p1 $0x1;
	p0 =	seq.s32 s7, s2  }
0x1e: {  	s7 =	smul.u32 @!p0 $0xF7A, s2;
	p2 =	seq.s32 @!p0 s5, $0x0  }
0x1f: {  	s9 =	smul.u32 $0xF7A, s1;
	s8 =	simm.s32 @!p0 $0x1BF5;
	p2 =	por !p2, p0  }
0x20: {  	[sflag:s8] =	ssyncset.s32 @!p0 $0xFFFFF086;
	s6 =	sadd.s32 @!p0 s3, s7;
	s7 =	simm.s32 @!p0 $0x108  }
0x21: {  	s3 =	sadd.s32 s3, s9;
	s6 =	sadd.s32 @!p0 $0x88, s6;
	s7 =	simm.s32 @p2 $0x1082  }
0x22: {  	[simem:s7], [sflag:s8] =	dma.local @!p0 [hbm:s6], $0xF7A  }
0x23: {  	s9 =	sor.u32 $0xD0000000, s2;
	s6 =	simm.s32 $0x108;
	_ =	swait.ge @!p0 [sflag:s8], $0x0  }
0x24: {  	s3 =	sadd.s32 $0x88, s3;
	s6 =	simm.s32 @!p1 $0x1082;
	[sflag:s4] =	ssyncset.s32 $0xFFFFF086  }
0x25: {  	[simem:s6], [sflag:s4] =	dma.local [hbm:s3], $0xF7A  }
0x26: {  	[smem:$0x3F98] =	sst s1;
	(tag) =	ssettag s2;
	_ =	strace s9  }
0x27: {  	s1 =	sld [smem:$0x3FA8]  }
0x28: {  	s2 =	sld [smem:$0x3FA9]  }
0x29: {  	s4 =	sld [smem:$0x3FAB]  }
0x2a: {  	p0 =	seq.s32 s5, $0x0;
	s5 =	sld [smem:$0x3FAC]  }
0x2b: {  	s6 =	sld [smem:$0x3FAD]  }
0x2c: {  	s7 =	sld [smem:$0x3FAE]  }
0x2d: {  	s3 =	simm.s32 $0x108;
	s8 =	sld [smem:$0x3FAF]  }
0x2e: {  	s3 =	simm.s32 @!p0 $0x1082;
	s9 =	sld [smem:$0x3FB0]  }
0x2f: {  	lr =	sadd.s32 s0, s3;
	s0 =	sld [smem:$0x3FA7]  }
0x30: {  	s3 =	sld [smem:$0x3FAA]  }
0x31: {  	[smem:$0x3FB3] =	sst s10  }
0x32: {  	s10 =	sld [smem:$0x3FB1];
	_ =	sdelay $0x3  }
0x33: {  	p0 =	seq.s32 s10, $0x1;
	s10 =	sld [smem:$0x3FB3];
	_ =	sdelay $0x3  }
0x34: {  	[smem:$0x3FB3] =	sst s10  }
0x35: {  	s10 =	sld [smem:$0x3FB2];
	_ =	sdelay $0x3  }
0x36: {  	p1 =	seq.s32 s10, $0x1;
	s10 =	sld [smem:$0x3FB3];
	_ =	sdelay $0x3  }
0x37: {  	[smem:$0x3FB3] =	sst s10  }
0x38: {  	s10 =	sld [smem:$0x3FB4]  }
0x39: {  	_ = 	snop;
	(pc) =	sbr.ind lr, $3  }
0x3a: {  	_ = 	snop  }
0x3b: {  	_ = 	snop  }
0x3c: {  	p2 =	seq.s32 s10, $0x1;
	s10 =	sld [smem:$0x3FB3]  }
0x3d: {  	_ =	shalt  }
0x3e: {  	_ =	shalt  }
0x3f: {  	_ =	shalt  }
0x40: {  	_ =	shalt  }
0x41: {  	_ =	shalt  }
0x42: {  	_ =	shalt  }
0x43: {  	_ =	shalt  }
0x44: {  	_ =	shalt  }
0x45: {  	_ =	shalt  }
0x46: {  	_ =	shalt  }
0x47: {  	_ =	shalt  }
0x48: {  	_ =	shalt  }
0x49: {  	_ =	shalt  }
0x4a: {  	_ =	shalt  }
0x4b: {  	_ =	shalt  }
0x4c: {  	_ =	shalt  }
0x4d: {  	_ =	shalt  }
0x4e: {  	_ =	shalt  }
0x4f: {  	_ =	shalt  }
0x50: {  	_ =	shalt  }
0x51: {  	_ =	shalt  }
0x52: {  	_ =	shalt  }
0x53: {  	_ =	shalt  }
0x54: {  	_ =	shalt  }
0x55: {  	_ =	shalt  }
0x56: {  	_ =	shalt  }
0x57: {  	_ =	shalt  }
0x58: {  	_ =	shalt  }
0x59: {  	_ =	shalt  }
0x5a: {  	_ =	shalt  }
0x5b: {  	_ =	shalt  }
0x5c: {  	_ =	shalt  }
0x5d: {  	_ =	shalt  }
0x5e: {  	_ =	shalt  }
0x5f: {  	_ =	shalt  }
0x60: {  	_ =	shalt  }
0x61: {  	_ =	shalt  }
0x62: {  	_ =	shalt  }
0x63: {  	_ =	shalt  }
0x64: {  	_ =	shalt  }
0x65: {  	_ =	shalt  }
0x66: {  	_ =	shalt  }
0x67: {  	_ =	shalt  }
0x68: {  	_ =	shalt  }
0x69: {  	_ =	shalt  }
0x6a: {  	_ =	shalt  }
0x6b: {  	_ =	shalt  }
0x6c: {  	_ =	shalt  }
0x6d: {  	_ =	shalt  }
0x6e: {  	_ =	shalt  }
0x6f: {  	_ =	shalt  }
0x70: {  	_ =	shalt  }
0x71: {  	_ =	shalt  }
0x72: {  	_ =	shalt  }
0x73: {  	_ =	shalt  }
0x74: {  	_ =	shalt  }
0x75: {  	_ =	shalt  }
0x76: {  	_ =	shalt  }
0x77: {  	_ =	shalt  }
0x78: {  	_ =	shalt  }
0x79: {  	_ =	shalt  }
0x7a: {  	_ =	shalt  }
0x7b: {  	_ =	shalt  }
0x7c: {  	_ =	shalt  }
0x7d: {  	_ =	shalt  }
0x7e: {  	_ =	shalt  }
0x7f: {  	_ =	shalt  }
0x80: {  	_ =	shalt  }
0x81: {  	_ =	shalt  }
0x82: {  	_ =	shalt  }
0x83: {  	_ =	shalt  }
0x84: {  	_ =	shalt  }
0x85: {  	_ =	shalt  }
0x86: {  	_ =	shalt  }
0x87: {  	_ =	shalt  }
.Lfunc_end0:
.L_simem_size_0:
called_computation.1_lowered:
.L_overlay_start_0:
0x88: {  	s2 =	sld [smem:$0x3FD9]  }
0x89: {  	s3 =	sld [smem:$0x3FFE];
	_ =	sdelay $0x1  }
0x8a: {  	s1 =	srdreg.scid  }
0x8b: {  	s0 =	sand.u32 $0x1, s1  }
0x8c: {  	s17 =	sshll.u32 s0, $0xA;
	s2 =	sadd.s32 s3, s2  }
0x8d: {  	s2 =	sadd.s32 s2, s17  }
0x8e: {  	[smem:$0x3FBF] =	sst s2  }
0x8f: {  	_ = 	snop  }
0x90: {  	s2 =	sld [smem:$0x3FC7]  }
0x91: {  	s18 =	sld [smem:$0x3FD0];
	(tm) =	ssettm $0x1  }
0x92: {  	s4 =	sld [smem:$0x3FFB];
	_ =	sdelay $0x3  }
0x93: {  	_ =	strace s4  }
0x94: {  	s4 =	sld [smem:$0x3FFC];
	_ =	sdelay $0x3  }
0x95: {  	_ =	strace s4  }
0x96: {  	s4 =	sld [smem:$0x3FFD];
	_ =	sdelay $0x3  }
0x97: {  	_ =	strace s4  }
0x98: {  	_ =	strace $0x8FFFFFFF  }
0x99: {  	s19 =	sld [smem:$0x3FDB];
	_ =	sdelay $0x1  }
0x9a: {  	s5 =	simm.s32 $_scs_section_size  }
0x9b: {  	s6 =	simm.s32 $_size__tile_overlayer_lowered;
	s7 =	simm.s32 $_tile_overlayer_lowered  }
0x9c: {  	s22 =	simm.s32 $0x1BFF;
	s21 =	sshll.u32 s7, $0x1;
	s4 =	sadd.s32 s5, s19  }
0x9d: {  	s8 =	simm.s32 $0x0;
	s20 =	sshll.u32 s6, $0x1;
	s6 =	sadd.s32 s21, s4  }
0x9e: {  	[timem:s8], [sflag:s22] =	dma.local [hbm:s6], s20  }
0x9f: {  	_ =	swait.ge [sflag:s22], s20  }
0xa0: {  	s5 =	ssub.s32 $0x0, s20;
	[sflag:s22] =	ssyncset.done $0x0  }
0xa1: {  	[sflag:s22] =	ssyncadd.s32 s5;
	_ =	sdelay $0x1  }
0xa2: {  	s23 =	simm.s32 $0x1B8B  }
0xa3: {  	_ =	swait.ge [sflag:s23], $0x1  }
0xa4: {  	[sflag:s23] =	ssyncset.done $0x0  }
0xa5: {  	s25 =	simm.s32 $0x1B8E;
	s24 =	sld [smem:$0x3FFE];
	[sflag:s23] =	ssyncadd.s32 $0xFFFFFFFF  }
0xa6: {  	s26 =	simm.s32 $execute0_lowered;
	[smem:$0x3FD2] =	sst s25  }
0xa7: {  	s6 =	sshll.u32 s26, $0x1;
	_ =	strace $0x80000049;
	[dreg:$0x1] =	wrdreg $0xFFFFFFFF  }
0xa8: {  	s28 =	simm.s32 $_size_execute0_lowered;
	s4 =	sadd.s32 s4, s6;
	[dreg:$0x0] =	wrdreg $0x0  }
0xa9: {  	s6 =	sshll.u32 s28, $0x1;
	[dreg:$0x2] =	wrdreg s4  }
0xaa: {  	[dreg:$0x3] =	wrdreg s6  }
0xab: {  	[dreg:$0x4] =	wrdreg $0xC0  }
0xac: {  	_ =	task [dreg:s8], $0x5FFFF  }
0xad: {  	[dreg:$0x1] =	wrdreg $0xFFFFFFFF  }
0xae: {  	[dreg:$0x0] =	wrdreg $0x60  }
0xaf: {  	[dreg:$0x2] =	wrdreg s24  }
0xb0: {  	[dreg:$0x3] =	wrdreg s2  }
0xb1: {  	[dreg:$0x4] =	wrdreg s18  }
0xb2: {  	[dreg:$0x5] =	wrdreg $0x76000  }
0xb3: {  	[dreg:$0x6] =	wrdreg $0x9  }
0xb4: {  	_ =	task.clear_ibuf [dreg:s8], $0x7FFFF;
	_ =	strace $0x90000049  }
0xb5: {  	s29 =	simm.s32 $0x9;
	_ =	strace $0x8000004B  }
0xb6: {  	_ =	swait.ge [sflag:s29], $0x1  }
0xb7: {  	[sflag:s29] =	ssyncadd.s32 $0xFFFFFFFF  }
0xb8: {  	_ =	strace $0x9000004B  }
0xb9: {  	_ =	sfence  }
0xba: {  	s30 =	sld [smem:$0x0];
	_ =	sdelay $0x2  }
0xbb: {  	s31 =	sshll.u32 s1, $0xD;
	s1 =	sshrl.u32 s1, $0x2  }
0xbc: {  	s3 =	sand.u32 $0x4000, s31;
	s1 =	sadd.s32 s1, s30  }
0xbd: {  	s0 =	sor.u32 s3, s0;
	s1 =	sshll.u32 s1, $0x11  }
0xbe: {  	s0 =	sor.u32 s1, s0  }
0xbf: {  	s0 =	sadd.s32 $0x8F2B, s0  }
0xc0: {  	[sflag:s0] =	ssyncadd.remote.s32 $0x1  }
0xc1: {  	_ =	sfence.sel $0xFFFF  }
0xc2: {  	[dreg:$0x0] =	wrdreg $0xFFFFFFFF;
	(pc) =	sbr.abs _section_cstart, $3  }
0xc3: {  	[dreg:$0x1] =	wrdreg $0xFFFFFFFF  }
0xc4: {  	_ =	task.clear_ibuf [dreg:s8], $0x2FFFF;
	_ =	strace $0x9FFFFFFF  }
0xc5: {  	(tm) =	ssettm $0x7FFFFFFF  }
tec
execute0_lowered:
.L_overlay_start_1:
0x0: {  	(tag) =	ssettag $0x1  }
0x1: {  	s0 =	rddreg [dreg:$0x0]  }
0x2: {  	s1 =	rddreg [dreg:$0x1]  }
0x3: {  	s2 =	rddreg [dreg:$0x3];
	s4 =	srdreg.scid;
	s3 =	simm.s32 $0x0  }
0x4: {  	s28 =	simm.s32 $0x1800;
	s29 =	simm.s32 $0x4200;
	s30 =	simm.s32 $0x2000  }
0x5: {  	s31 =	simm.s32 $0x4280;
	s12 =	simm.s32 $0x3800;
	s13 =	simm.s32 $0x2  }
0x6: {  	s5 =	sand.u32 $0x1, s4;
	[smem:$0x7FF] =	sst s3;
	s0 =	sadd.s32 $0x1600, s0  }
0x7: {  	s4 =	stileid.u32;
	s15 =	sadd.s32 $0x18680, s1;
	s6 =	smul.u32 $0x186A000, s5  }
0x8: {  	s7 =	ssub.s32 $0x2, s5;
	s10 =	smul.u32 $0x6400, s4;
	_ =	strace $0x8000004A  }
0x9: {  	[dreg:$0x6] =	wrdreg s15;
	s20 =	sor.u32 $0x70, s4;
	s23 =	sshll.u32 s4, $0xF  }
0xa: {  	s26 =	sshll.u32 s4, $0x7;
	s15 =	simm.s32 $0x20;
	s8 =	sshrl.u32 s7, $0x1  }
0xb: {  	s22 =	smul.u32 $0x6400, s20;
	p0 =	sgt.u32 s20, $0x7C;
	s8 =	ssub.s32 s7, s8  }
0xc: {  	s9 =	sshrl.u32 s6, $0x4;
	s16 =	sshrl.u32 s10, $0x2;
	s17 =	smax.u32 s8, $0x1  }
0xd: {  	s14 =	sadd.s32 s0, s9;
	s10 =	sadd.s32 s16, s2;
	[dreg:$0x7] =	wrdreg s17  }
0xe: {  	s20 =	simm.s32 $0x4000;
	s7 =	sadd.s32 $0x186800, s14;
	[dreg:$0x8] =	wrdreg s10  }
0xf: {  	s6 =	sadd.s32 s23, s6;
	s18 =	sadd.s32 $0x19000, s10;
	[dreg:$0x5] =	wrdreg s7  }
0x10: {  	s23 =	simm.s32 $0x800;
	s19 =	sadd.s32 $0x32000, s10;
	[dreg:$0x9] =	wrdreg s18  }
0x11: {  	s8 =	sshrl.u32 s22, $0x2;
	s21 =	sadd.s32 $0x4B000, s10;
	[dreg:$0xa] =	wrdreg s19  }
0x12: {  	s6 =	sshrl.u32 s6, $0x4;
	s11 =	sadd.s32 $0x64000, s10;
	[dreg:$0xb] =	wrdreg s21  }
0x13: {  	s22 =	simm.s32 $0x4080;
	s24 =	sadd.s32 $0x7D000, s10;
	[dreg:$0xc] =	wrdreg s11  }
0x14: {  	s16 =	simm.s32 $0x5D00;
	s25 =	sadd.s32 $0x96000, s10;
	[dreg:$0xd] =	wrdreg s24  }
0x15: {  	s8 =	sadd.s32 s8, s2;
	s0 =	sadd.s32 s6, s0;
	[dreg:$0xe] =	wrdreg s25  }
.Ltmp0:
0x16: {  	s10 =	simm.s32 $0x3000;
	[dreg:$0xf] =	wrdreg s8;
	(pc) =	sbr.rel .LBB2_1-.Ltmp0, $4  }
0x17: {  	v0 =	vlaneseq.u32;
	s14 =	simm.s32 $0x4400;
	s7 =	sshll.u32 s5, $0x5;
	[dreg:$0x10] =	wrdreg s0  }
0x18: {  	v0 =	vmul.u32 $0x2, v0;
	s18 =	sadd.s32 s26, s1;
	s19 =	simm.s32 $0x1;
	s21 =	simm.s32 $0x80  }
0x19: {  	s25 =	simm.s32 $0x1000;
	s26 =	simm.s32 $0x4180;
	s0 =	simm.s32 $0x2800  }
0x1a: {  	v1 =	vimm.bf16 $0.0e+00;
	v2 =	vor.u32 $0x1, v0;
	s8 =	simm.s32 $0x4300;
	s11 =	simm.s32 $0x4380;
	s5 =	simm.s32 $0x0  }
.LBB2_16:
0x1b: {  	s5 =	rddreg [dreg:$0x11]  }
0x1c: {  	s1 =	rddreg [dreg:$0x7];
	s5 =	sadd.s32 $0x1, s5  }
0x1d: {  	p1 =	sne.s32 s5, s1  }
.Ltmp1:
0x1e: {  	_ = 	snop;
	(pc) =	sbr.rel @!p1 .LBB2_17-.Ltmp1, $1  }
0x1f: {  	_ =	sdelay $0x3  }
.LBB2_1:
0x20: {  	[dreg:$0x11] =	wrdreg s5;
	s1 =	simm.s32 $0x40;
	s5 =	simm.s32 $0x0  }
.LBB2_2:
0x21: {  	p1 =	sne.s32 s1, $0x63C0;
	[tilespmem:s5+$0x0] =	vst v1;
	s5 =	smov.u32 s1;
	s1 =	sadd.s32 $0x40, s1  }
.Ltmp2:
0x22: {  	(pc) =	sbr.rel @p1 .LBB2_2-.Ltmp2, $2  }
0x23: {  	_ =	sdelay $0x2  }
0x24: {  	s5 =	sshra.s32 s5, $0x2  }
0x25: {  	[tilespmem:s5+$0x0] =	vst v1;
	s1 =	rddreg [dreg:$0x8]  }
0x26: {  	[spmem:s1] =	stream.linear.scatter [tilespmem:s3], [sflag:$0x1], $0x1900, $0x38;
	[tilespmem:$0x13950] =	vst v63  }
0x27: {  	_ =	swait.ge [sflag:s19], $0x1900  }
0x28: {  	[sflag:s19] =	ssyncset.done $0x0  }
0x29: {  	s24 =	rddreg [dreg:$0x9];
	[sflag:s19] =	ssyncadd.s32 $0xFFFFE700  }
0x2a: {  	[spmem:s24] =	stream.linear.scatter [tilespmem:s3], [sflag:$0x1], $0x1900, $0x38;
	[tilespmem:$0x13950] =	vst v63  }
0x2b: {  	_ =	swait.ge [sflag:s19], $0x1900  }
0x2c: {  	[sflag:s19] =	ssyncset.done $0x0  }
0x2d: {  	s5 =	rddreg [dreg:$0xa];
	[sflag:s19] =	ssyncadd.s32 $0xFFFFE700  }
0x2e: {  	[spmem:s5] =	stream.linear.scatter [tilespmem:s3], [sflag:$0x1], $0x1900, $0x38;
	[tilespmem:$0x13950] =	vst v63  }
0x2f: {  	_ =	swait.ge [sflag:s19], $0x1900  }
0x30: {  	[sflag:s19] =	ssyncset.done $0x0  }
0x31: {  	s6 =	rddreg [dreg:$0xb];
	[sflag:s19] =	ssyncadd.s32 $0xFFFFE700  }
0x32: {  	[spmem:s6] =	stream.linear.scatter [tilespmem:s3], [sflag:$0x1], $0x1900, $0x38;
	[tilespmem:$0x13950] =	vst v63  }
0x33: {  	_ =	swait.ge [sflag:s19], $0x1900  }
0x34: {  	[sflag:s19] =	ssyncset.done $0x0  }
0x35: {  	s9 =	rddreg [dreg:$0xc];
	[sflag:s19] =	ssyncadd.s32 $0xFFFFE700  }
0x36: {  	[spmem:s9] =	stream.linear.scatter [tilespmem:s3], [sflag:$0x1], $0x1900, $0x38;
	[tilespmem:$0x13950] =	vst v63  }
0x37: {  	_ =	swait.ge [sflag:s19], $0x1900  }
0x38: {  	[sflag:s19] =	ssyncset.done $0x0  }
0x39: {  	s17 =	rddreg [dreg:$0xd];
	[sflag:s19] =	ssyncadd.s32 $0xFFFFE700  }
0x3a: {  	[spmem:s17] =	stream.linear.scatter [tilespmem:s3], [sflag:$0x1], $0x1900, $0x38;
	[tilespmem:$0x13950] =	vst v63  }
0x3b: {  	_ =	swait.ge [sflag:s19], $0x1900  }
0x3c: {  	[sflag:s19] =	ssyncset.done $0x0  }
0x3d: {  	s24 =	rddreg [dreg:$0xe];
	[sflag:s19] =	ssyncadd.s32 $0xFFFFE700  }
0x3e: {  	[spmem:s24] =	stream.linear.scatter [tilespmem:s3], [sflag:$0x1], $0x1900, $0x38;
	[tilespmem:$0x13950] =	vst v63  }
0x3f: {  	_ =	swait.ge [sflag:s19], $0x1900  }
0x40: {  	[sflag:s19] =	ssyncset.done $0x0  }
0x41: {  	s1 =	simm.s32 @!p0 $0x0;
	s5 =	rddreg [dreg:$0xf];
	[sflag:s19] =	ssyncadd.s32 $0xFFFFE700  }
0x42: {  	[spmem:s5] =	stream.linear.scatter @!p0 [tilespmem:s1], [sflag:$0x1], $0x1900, $0x38;
	[tilespmem:$0x13950] =	vst v63  }
0x43: {  	s1 =	simm.s32 @!p0 $0x1  }
.Ltmp3:
0x44: {  	_ =	swait.ge @!p0 [sflag:s1], $0x1900;
	(pc) =	sbr.rel .LBB2_4-.Ltmp3, $4  }
0x45: {  	[sflag:s1] =	ssyncset.done @!p0 $0x0  }
0x46: {  	[sflag:s1] =	ssyncadd.s32 @!p0 $0xFFFFE700  }
0x47: {  	[bflag:$0x0] =	sbarrier.arrive $0xFFFF  }
0x48: {  	s9 =	simm.s32 $0x0;
	s1 =	stileid.u32;
	s5 =	rddreg [dreg:$0x10]  }
.LBB2_5:
0x49: {  	[tilespmem:s3], [sflag:$0x2] =	stream.linear.gather [hbm4b:s5+s3], $0x4000, $0x38;
	[tilespmem:$0x13950] =	vst v63  }
0x4a: {  	s6 =	simm.s32 $0x2  }
0x4b: {  	_ =	swait.ge [sflag:s6], $0x4000  }
0x4c: {  	[sflag:s6] =	ssyncset.done $0x0  }
0x4d: {  	s17 =	sadd.s32 s9, s18;
	[sflag:s6] =	ssyncadd.s32 $0xFFFFC000  }
0x4e: {  	[tilespmem:s20], [sflag:$0x2] =	stream.linear.gather [hbm4b:s17+s3], $0x400, $0x38;
	[tilespmem:$0x13950] =	vst v63  }
0x4f: {  	_ =	swait.ge [sflag:s6], $0x400  }
0x50: {  	[sflag:s6] =	ssyncset.done $0x0  }
0x51: {  	[sflag:s6] =	ssyncadd.s32 $0xFFFFFC00  }
0x52: {  	[spmem:s2] =	stream.indirect.scatter.add.bf16 [tilespmem:s3], [sflag:$0x2], $0x10, s20, s21, $0xb8;
	[tilespmem:$0x13950] =	vst v63  }
0x53: {  	_ =	swait.ge [sflag:s6], $0x800  }
0x54: {  	[sflag:s6] =	ssyncset.done $0x0  }
0x55: {  	[sflag:s6] =	ssyncadd.s32 $0xFFFFF800  }
0x56: {  	[spmem:s2] =	stream.indirect.scatter.add.bf16 [tilespmem:s23], [sflag:$0x2], $0x10, s22, s21, $0xb8;
	[tilespmem:$0x13950] =	vst v63  }
0x57: {  	_ =	swait.ge [sflag:s6], $0x800  }
0x58: {  	[sflag:s6] =	ssyncset.done $0x0  }
0x59: {  	s24 =	simm.s32 $0x4100;
	[sflag:s6] =	ssyncadd.s32 $0xFFFFF800  }
0x5a: {  	[spmem:s2] =	stream.indirect.scatter.add.bf16 [tilespmem:s25], [sflag:$0x2], $0x10, s24, s21, $0xb8;
	[tilespmem:$0x13950] =	vst v63  }
0x5b: {  	_ =	swait.ge [sflag:s6], $0x800  }
0x5c: {  	[sflag:s6] =	ssyncset.done $0x0  }
0x5d: {  	[sflag:s6] =	ssyncadd.s32 $0xFFFFF800  }
0x5e: {  	[spmem:s2] =	stream.indirect.scatter.add.bf16 [tilespmem:s28], [sflag:$0x2], $0x10, s26, s21, $0xb8;
	[tilespmem:$0x13950] =	vst v63  }
0x5f: {  	_ =	swait.ge [sflag:s6], $0x800  }
0x60: {  	[sflag:s6] =	ssyncset.done $0x0  }
0x61: {  	[sflag:s6] =	ssyncadd.s32 $0xFFFFF800  }
0x62: {  	[spmem:s2] =	stream.indirect.scatter.add.bf16 [tilespmem:s30], [sflag:$0x2], $0x10, s29, s21, $0xb8;
	[tilespmem:$0x13950] =	vst v63  }
0x63: {  	_ =	swait.ge [sflag:s6], $0x800  }
0x64: {  	[sflag:s6] =	ssyncset.done $0x0  }
0x65: {  	[sflag:s6] =	ssyncadd.s32 $0xFFFFF800  }
0x66: {  	[spmem:s2] =	stream.indirect.scatter.add.bf16 [tilespmem:s0], [sflag:$0x2], $0x10, s31, s21, $0xb8;
	[tilespmem:$0x13950] =	vst v63  }
0x67: {  	_ =	swait.ge [sflag:s6], $0x800  }
0x68: {  	[sflag:s6] =	ssyncset.done $0x0  }
0x69: {  	[sflag:s6] =	ssyncadd.s32 $0xFFFFF800  }
0x6a: {  	[spmem:s2] =	stream.indirect.scatter.add.bf16 [tilespmem:s10], [sflag:$0x2], $0x10, s8, s21, $0xb8;
	[tilespmem:$0x13950] =	vst v63  }
0x6b: {  	_ =	swait.ge [sflag:s6], $0x800  }
0x6c: {  	[sflag:s6] =	ssyncset.done $0x0  }
0x6d: {  	[sflag:s6] =	ssyncadd.s32 $0xFFFFF800  }
0x6e: {  	[spmem:s2] =	stream.indirect.scatter.add.bf16 [tilespmem:s12], [sflag:$0x2], $0x10, s11, s21, $0xb8;
	[tilespmem:$0x13950] =	vst v63  }
.LBB2_8:
0x6f: {  	_ =	swait.ge [sflag:s6], $0x800  }
0x70: {  	[sflag:s6] =	ssyncset.done $0x0  }
0x71: {  	[sflag:s6] =	ssyncadd.s32 $0xFFFFF800  }
.LBB2_9:
0x72: {  	s9 =	sadd.s32 $0x800, s9  }
0x73: {  	p1 =	sne.s32 s9, $0x18800  }
.Ltmp4:
0x74: {  	_ = 	snop;
	(pc) =	sbr.rel @!p1 .LBB2_10-.Ltmp4, $2  }
0x75: {  	_ =	sdelay $0x2  }
0x76: {  	s5 =	sadd.s32 $0x8000, s5;
	s1 =	sadd.s32 $0x10, s1  }
.LBB2_4:
0x77: {  	p1 =	sgt.u32 s1, $0x30C  }
.Ltmp5:
0x78: {  	_ = 	snop;
	(pc) =	sbr.rel @!p1 .LBB2_5-.Ltmp5, $1  }
0x79: {  	_ =	sdelay $0x3  }
0x7a: {  	p1 =	sne.s32 s1, $0x30D  }
.Ltmp6:
0x7b: {  	_ = 	snop;
	(pc) =	sbr.rel @p1 .LBB2_9-.Ltmp6, $1  }
0x7c: {  	_ =	sdelay $0x3  }
0x7d: {  	s6 =	rddreg [dreg:$0x5]  }
0x7e: {  	[tilespmem:s3], [sflag:$0x2] =	stream.linear.gather [hbm4b:s6+s3], $0x1000, $0x38;
	[tilespmem:$0x13950] =	vst v63  }
0x7f: {  	_ =	swait.ge [sflag:s13], $0x1000  }
0x80: {  	[sflag:s13] =	ssyncset.done $0x0  }
0x81: {  	s24 =	rddreg [dreg:$0x6];
	[sflag:s13] =	ssyncadd.s32 $0xFFFFF000  }
0x82: {  	[tilespmem:s20], [sflag:$0x2] =	stream.linear.gather [hbm4b:s24+s3], $0x100, $0x38;
	[tilespmem:$0x13950] =	vst v63  }
0x83: {  	_ =	swait.ge [sflag:s13], $0x100  }
0x84: {  	[sflag:s13] =	ssyncset.done $0x0  }
0x85: {  	[sflag:s13] =	ssyncadd.s32 $0xFFFFFF00  }
0x86: {  	[spmem:s2] =	stream.indirect.scatter.add.bf16 [tilespmem:s3], [sflag:$0x2], $0x10, s20, s21, $0xb8;
	[tilespmem:$0x13950] =	vst v63  }
.Ltmp7:
0x87: {  	_ = 	snop;
	(pc) =	sbr.rel .LBB2_8-.Ltmp7, $4  }
0x88: {  	_ =	swait.ge [sflag:s13], $0x800  }
0x89: {  	[sflag:s13] =	ssyncset.done $0x0  }
0x8a: {  	s6 =	simm.s32 $0x1;
	[sflag:s13] =	ssyncadd.s32 $0xFFFFF800  }
0x8b: {  	[spmem:s2] =	stream.indirect.scatter.add.bf16 [tilespmem:s23], [sflag:$0x1], $0x10, s22, s21, $0xb8;
	[tilespmem:$0x13950] =	vst v63  }
.LBB2_10:
.Ltmp8:
0x8c: {  	(pc) =	sbr.rel .LBB2_11-.Ltmp8, $3  }
0x8d: {  	_ =	sdelay $0x1  }
0x8e: {  	[bflag:$0x0] =	sbarrier.arrive $0xFFFF  }
0x8f: {  	s9 =	simm.s32 $0x0  }
.LBB2_15:
0x90: {  	s9 =	sadd.s32 $0x1, s9  }
0x91: {  	p1 =	sne.s32 s9, $0x8  }
.Ltmp9:
0x92: {  	_ = 	snop;
	(pc) =	sbr.rel @!p1 .LBB2_16-.Ltmp9, $1  }
0x93: {  	_ =	sdelay $0x3  }
.LBB2_11:
0x94: {  	s1 =	sshll.u32 s9, $0x4  }
0x95: {  	s1 =	sor.u32 s4, s1  }
0x96: {  	p1 =	sgt.u32 s1, $0x7C  }
.Ltmp10:
0x97: {  	_ = 	snop;
	(pc) =	sbr.rel @p1 .LBB2_15-.Ltmp10, $1  }
0x98: {  	_ =	sdelay $0x3  }
0x99: {  	s1 =	smul.u32 $0x6400, s1;
	_ =	sdelay $0x1  }
0x9a: {  	s5 =	sshra.s32 s1, $0x2  }
0x9b: {  	s6 =	sadd.s32 s5, s2;
	s5 =	simm.s32 $0x0  }
0x9c: {  	[tilespmem:s5], [sflag:$0x2] =	stream.linear.gather [spmem:s6], $0x1900, $0x38;
	[tilespmem:$0x13950] =	vst v63  }
0x9d: {  	s24 =	sand.u32 $0x1, s5;
	_ =	swait.ge [sflag:s13], $0x1900  }
0x9e: {  	s6 =	simm.s32 $0xC8;
	p1 =	seq.s32 s24, $0x1;
	[sflag:s13] =	ssyncset.done $0x0  }
0x9f: {  	s6 =	simm.s32 @!p1 $0x0;
	[sflag:s13] =	ssyncadd.s32 $0xFFFFE700  }
0xa0: {  	s17 =	sadd.s32 $0x0, s6;
	v5 =	vld [tilespmem:s5+$0x0]  }
0xa1: {  	s17 =	sshll.u32 s17, $0x5  }
0xa2: {  	v4 =	vor.u32 s17, v0  }
0xa3: {  	s6 =	simm.s32 $0x1;
	v3 =	vor.u32 s17, v2  }
0xa4: {  	s24 =	sand.u32 $0x1, s6  }
0xa5: {  	p2 =	seq.s32 s24, $0x1;
	s17 =	simm.s32 $0x2;
	v6 =	vshll.u32 v5, $0x10;
	v5 =	vand.u32 $0xFFFF0000, v5  }
.LBB2_13:
0xa6: {  	s24 =	simm.s32 $0xC8  }
0xa7: {  	p1 =	sne.s32 s17, $0x18F;
	s6 =	sshrl.u32 s6, $0x1;
	[tilespmem:v4+s14+$0x0] =	vst.idx.msk $0xffff, v6;
	s24 =	simm.s32 @!p2 $0x0  }
0xa8: {  	s5 =	sadd.s32 $0x10, s5;
	s24 =	sadd.s32 s6, s24;
	[tilespmem:v3+s14+$0x0] =	vst.idx.msk $0xffff, v5;
	s6 =	smov.u32 s17  }
0xa9: {  	v5 =	vld [tilespmem:s5+$0x0];
	s24 =	sshll.u32 s24, $0x5  }
.Ltmp11:
0xaa: {  	v4 =	vor.u32 s24, v0;
	(pc) =	sbr.rel @p1 .LBB2_13-.Ltmp11, $3  }
0xab: {  	v3 =	vor.u32 s24, v2;
	_ =	sdelay $0x1  }
0xac: {  	s24 =	sand.u32 $0x1, s17  }
0xad: {  	s17 =	sadd.s32 $0x1, s17;
	p2 =	seq.s32 s24, $0x1;
	v6 =	vshll.u32 v5, $0x10;
	v5 =	vand.u32 $0xFFFF0000, v5  }
0xae: {  	_ =	sdelay $0x2  }
0xaf: {  	s17 =	simm.s32 $0xC8  }
0xb0: {  	s6 =	sshrl.u32 s6, $0x1;
	[tilespmem:v4+s14+$0x0] =	vst.idx.msk $0xffff, v6;
	s17 =	simm.s32 @!p2 $0x0  }
0xb1: {  	s5 =	sadd.s32 $0x10, s5;
	[tilespmem:v3+s14+$0x0] =	vst.idx.msk $0xffff, v5;
	s6 =	sadd.s32 s6, s17  }
0xb2: {  	v3 =	vld [tilespmem:s5+$0x0];
	s17 =	sshll.u32 s6, $0x5  }
0xb3: {  	v61 =	vor.u32 s17, v0  }
0xb4: {  	v62 =	vor.u32 s17, v2;
	_ =	sdelay $0x2  }
0xb5: {  	s1 =	sor.u32 s7, s1;
	v63 =	vshll.u32 v3, $0x10  }
0xb6: {  	s24 =	rddreg [dreg:$0x2];
	s1 =	sshrl.u32 s1, $0x3;
	v3 =	vand.u32 $0xFFFF0000, v3;
	[tilespmem:v61+s14+$0x0] =	vst.idx.msk $0xffff, v63  }
0xb7: {  	s1 =	sadd.s32 s24, s1;
	[tilespmem:v62+s14+$0x0] =	vst.idx.msk $0xffff, v3  }
0xb8: {  	[hbm4b:s1+s15] =	stream.strided.scatter [tilespmem:s14], [sflag:$0x2], $0x1900, s21, s15, $0x38;
	[tilespmem:$0x13950] =	vst v63  }
0xb9: {  	_ =	swait.ge [sflag:s13], $0x1900  }
0xba: {  	[sflag:s13] =	ssyncset.done $0x0  }
.Ltmp12:
0xbb: {  	s1 =	sadd.s32 $0x8, s1;
	[sflag:s13] =	ssyncadd.s32 $0xFFFFE700;
	(pc) =	sbr.rel .LBB2_15-.Ltmp12, $4  }
0xbc: {  	[hbm4b:s1+s15] =	stream.strided.scatter [tilespmem:s16], [sflag:$0x1], $0x1900, s21, s15, $0x38;
	[tilespmem:$0x13950] =	vst v63  }
0xbd: {  	_ =	swait.ge [sflag:s19], $0x1900  }
0xbe: {  	[sflag:s19] =	ssyncset.done $0x0  }
0xbf: {  	[sflag:s19] =	ssyncadd.s32 $0xFFFFE700  }
.LBB2_17:
0xc0: {  	_ =	sfence.sel $0x180000  }
0xc1: {  	[bflag:$0x0] =	sbarrier.arrive $0xFFFF  }
0xc2: {  	_ =	strace $0x9000004A  }
0xc3: {  	[bflag:$0x2] =	sbarrier.arrive $0xFFFF  }
0xc4: {  	p0 =	sne.s32 s4, $0x0;
	s0 =	rddreg [dreg:$0x4]  }
0xc5: {  	s0 =	sadd.s32 @!p0 $0x100000, s0  }
0xc6: {  	[sflag:s0] =	ssyncadd.tile.s32 @!p0 $0x1;
	_ =	shalt  }
.Lfunc_end2:
_tile_overlayer_lowered:
.L_overlay_start_2:
0xc7: {  	(tag) =	ssettag $0x2  }
0xc8: {  	s0 =	rddreg [dreg:$0x0];
	s2 =	stileid.u32  }
0xc9: {  	s1 =	rddreg [dreg:$0x1];
	p0 =	sne.s32 s2, $0x0  }
0xca: {  	s3 =	rddreg [dreg:$0x2];
	[bflag:$0x3] =	sbarrier.arrive $0xFFFF;
	s2 =	simm.s32 @!p0 $0x1C01  }
0xcb: {  	[timem:s3], [sflag:s2] =	dma.local @!p0 [hbm:s0], s1  }
0xcc: {  	s0 =	simm.s32 @!p0 $0x1  }
0xcd: {  	_ =	swait.ge @!p0 [sflag:s0], s1  }
0xce: {  	s1 =	ssub.s32 @!p0 $0x0, s1;
	[sflag:s0] =	ssyncset.done @!p0 $0x0  }
0xcf: {  	[sflag:s0] =	ssyncadd.s32 @!p0 s1  }
0xd0: {  	[bflag:$0x3] =	sbarrier.arrive $0xFFFF  }
0xd1: {  	_ =	shalt  }

// kernel: sparse-core-data-format-call.cloned.1.call-start
scs
called_computation_lowered:
.L_overlay_start_0:
0x0: {  	s1 =	sld [smem:$0x3FD9]  }
0x1: {  	s2 =	sld [smem:$0x3FFE];
	_ =	sdelay $0x1  }
0x2: {  	s3 =	srdreg.scid  }
0x3: {  	s0 =	sand.u32 $0x1, s3  }
0x4: {  	s17 =	sshll.u32 s0, $0xA;
	s1 =	sadd.s32 s2, s1  }
0x5: {  	s1 =	sadd.s32 s1, s17  }
0x6: {  	[smem:$0x3FBF] =	sst s1  }
0x7: {  	_ = 	snop  }
0x8: {  	(tm) =	ssettm $0x1  }
0x9: {  	s18 =	sld [smem:$0x3FFB];
	_ =	sdelay $0x3  }
0xa: {  	_ =	strace s18  }
0xb: {  	s1 =	sld [smem:$0x3FFC];
	_ =	sdelay $0x3  }
0xc: {  	_ =	strace s1  }
0xd: {  	s1 =	sld [smem:$0x3FFD];
	_ =	sdelay $0x3  }
0xe: {  	_ =	strace s1  }
0xf: {  	_ =	strace $0x8FFFFFFF  }
0x10: {  	s19 =	sld [smem:$0x3FDB];
	_ =	sdelay $0x1  }
0x11: {  	s20 =	simm.s32 $_scs_section_size  }
0x12: {  	s4 =	simm.s32 $_size__tile_overlayer_lowered;
	s5 =	simm.s32 $_tile_overlayer_lowered  }
0x13: {  	s23 =	simm.s32 $0x1BFF;
	s22 =	sshll.u32 s5, $0x1;
	s1 =	sadd.s32 s20, s19  }
0x14: {  	s6 =	simm.s32 $0x0;
	s21 =	sshll.u32 s4, $0x1;
	s4 =	sadd.s32 s22, s1  }
0x15: {  	[timem:s6], [sflag:s23] =	dma.local [hbm:s4], s21  }
0x16: {  	_ =	swait.ge [sflag:s23], s21  }
0x17: {  	s2 =	ssub.s32 $0x0, s21;
	[sflag:s23] =	ssyncset.done $0x0  }
0x18: {  	[sflag:s23] =	ssyncadd.s32 s2;
	_ =	sdelay $0x1  }
0x19: {  	s24 =	simm.s32 $0x1B8B  }
0x1a: {  	_ =	swait.ge [sflag:s24], $0x1  }
0x1b: {  	[sflag:s24] =	ssyncset.done $0x0  }
0x1c: {  	s26 =	simm.s32 $0x1B8E;
	s25 =	sld [smem:$0x3FFE];
	[sflag:s24] =	ssyncadd.s32 $0xFFFFFFFF  }
0x1d: {  	s27 =	simm.s32 $execute0_lowered;
	[smem:$0x3FD2] =	sst s26  }
0x1e: {  	s4 =	sshll.u32 s27, $0x1;
	_ =	strace $0x80000046;
	[dreg:$0x1] =	wrdreg $0xFFFFFFFF  }
0x1f: {  	s28 =	simm.s32 $_size_execute0_lowered;
	s1 =	sadd.s32 s1, s4;
	[dreg:$0x0] =	wrdreg $0x0  }
0x20: {  	s4 =	sshll.u32 s28, $0x1;
	[dreg:$0x2] =	wrdreg s1  }
0x21: {  	[dreg:$0x3] =	wrdreg s4  }
0x22: {  	[dreg:$0x4] =	wrdreg $0xC0  }
0x23: {  	_ =	task [dreg:s6], $0x5FFFF  }
0x24: {  	[dreg:$0x1] =	wrdreg $0xFFFFFFFF  }
0x25: {  	[dreg:$0x0] =	wrdreg $0x60  }
0x26: {  	[dreg:$0x2] =	wrdreg s25  }
0x27: {  	[dreg:$0x3] =	wrdreg $0x9  }
0x28: {  	_ =	task.clear_ibuf [dreg:s6], $0x4FFFF;
	_ =	strace $0x90000046  }
0x29: {  	s29 =	simm.s32 $0x9;
	_ =	strace $0x80000048  }
0x2a: {  	_ =	swait.ge [sflag:s29], $0x1  }
0x2b: {  	[sflag:s29] =	ssyncadd.s32 $0xFFFFFFFF  }
0x2c: {  	_ =	strace $0x90000048  }
0x2d: {  	_ =	sfence  }
0x2e: {  	s30 =	sld [smem:$0x0];
	_ =	sdelay $0x2  }
0x2f: {  	s31 =	sshll.u32 s3, $0xD;
	s3 =	sshrl.u32 s3, $0x2  }
0x30: {  	s2 =	sand.u32 $0x4000, s31;
	s1 =	sadd.s32 s3, s30  }
0x31: {  	s0 =	sor.u32 s2, s0;
	s1 =	sshll.u32 s1, $0x11  }
0x32: {  	s0 =	sor.u32 s1, s0  }
0x33: {  	s0 =	sadd.s32 $0x8F2B, s0  }
0x34: {  	[sflag:s0] =	ssyncadd.remote.s32 $0x1  }
0x35: {  	_ =	sfence.sel $0xFFFF  }
0x36: {  	[dreg:$0x0] =	wrdreg $0xFFFFFFFF;
	(pc) =	sbr.abs _section_cstart, $3  }
0x37: {  	[dreg:$0x1] =	wrdreg $0xFFFFFFFF  }
0x38: {  	_ =	task.clear_ibuf [dreg:s6], $0x2FFFF;
	_ =	strace $0x9FFFFFFF  }
0x39: {  	(tm) =	ssettm $0x7FFFFFFF  }
tec
execute0_lowered:
.L_overlay_start_1:
0x0: {  	(tag) =	ssettag $0x1  }
0x1: {  	s0 =	srdreg.scid  }
0x2: {  	s5 =	rddreg [dreg:$0x0];
	s1 =	stileid.u32;
	s4 =	simm.s32 $0x1  }
0x3: {  	s6 =	simm.s32 $0x2;
	s8 =	simm.s32 $0x0;
	s2 =	sshll.u32 s0, $0x4  }
0x4: {  	s9 =	simm.s32 $0x0;
	s13 =	simm.s32 $0x0;
	s2 =	sand.u32 $0x10, s2  }
.Ltmp0:
0x5: {  	s10 =	simm.s32 $0x0;
	s3 =	sor.u32 s1, s2;
	(pc) =	sbr.rel .LBB1_1-.Ltmp0, $4  }
0x6: {  	s0 =	rddreg [dreg:$0x1];
	_ =	strace $0x80000047;
	s3 =	sshll.u32 s3, $0x4  }
0x7: {  	s12 =	simm.s32 $0x0;
	[sflag:s4] =	ssyncpa.u1 $0x0;
	s7 =	ssub.s32 $0x61A0, s3  }
0x8: {  	s2 =	sadd.s32 $0x30EA00, s5;
	[sflag:s6] =	ssyncpa.u1 $0x0;
	s6 =	sshrl.u32 s7, $0x9  }
0x9: {  	s5 =	sadd.s32 $0x1600, s5;
	s11 =	smov.u32 s3;
	s7 =	sadd.s32 $0x2, s6  }
.LBB1_7:
0xa: {  	s15 =	sshll.u32 s12, $0xF  }
0xb: {  	s15 =	sand.u32 $0x8000, s15  }
0xc: {  	s16 =	sshll.u32 s10, $0x7;
	s15 =	sshrl.u32 s15, $0x1  }
0xd: {  	s16 =	sadd.s32 s5, s16;
	s15 =	sor.u32 $0x8000, s15  }
0xe: {  	[hbm4b:s16+s8] =	stream.linear.scatter [tilespmem:s15], [sflag:$0x2], s14, $0x38;
	[tilespmem:$0x10000] =	vst v63  }
.LBB1_8:
0xf: {  	p0 =	slt.u32 s12, $0x2  }
0x10: {  	p1 =	sgt.s32 @!p0 s13, $0x6198  }
0x11: {  	s14 =	smov.u32 s13;
	s15 =	sshra.s32 @!p0 s13, $0x1F;
	p1 =	por !p1, p0  }
0x12: {  	s13 =	sand.u32 @!p0 s15, s13;
	s14 =	simm.s32 @p1 $0x6198  }
0x13: {  	s13 =	ssub.s32 @!p0 s14, s13  }
0x14: {  	s13 =	sadd.s32 @!p0 $0xFFFF9E68, s13  }
0x15: {  	s14 =	sshll.u32 @!p0 s13, $0xC  }
0x16: {  	p1 =	sgt.s32 @!p0 s13, $0xF;
	s13 =	ssub.s32 @!p0 $0x10000, s14  }
0x17: {  	s15 =	sadd.s32 $0x200, s11;
	p1 =	por !p1, p0;
	s13 =	sshrl.u32 @!p0 s13, $0x2  }
0x18: {  	s13 =	simm.s32 @!p1 $0x0;
	p1 =	sgt.s32 s15, $0x61A7  }
0x19: {  	s15 =	smov.u32 @p1 s3;
	p1 =	sne.s32 s12, s7  }
.Ltmp1:
0x1a: {  	_ = 	snop;
	(pc) =	sbr.rel @!p1 .LBB1_9-.Ltmp1, $4  }
0x1b: {  	s14 =	simm.s32 @!p0 $0x2  }
0x1c: {  	s9 =	sadd.s32 $0x8000, s9;
	_ =	swait.ge @!p0 [sflag:s14], s13;
	s16 =	ssub.s32 @!p0 $0x0, s13  }
0x1d: {  	s13 =	smov.u32 s10;
	s12 =	sadd.s32 $0x1, s12;
	[sflag:s14] =	ssyncset.done @!p0 $0x0  }
0x1e: {  	s10 =	smov.u32 s11;
	s11 =	smov.u32 s15;
	[sflag:s14] =	ssyncadd.s32 @!p0 s16  }
.LBB1_1:
0x1f: {  	p0 =	sgt.u32 s12, s6  }
0x20: {  	p1 =	sgt.s32 @!p0 s11, $0x6198  }
0x21: {  	s14 =	smov.u32 s11;
	s15 =	sshra.s32 @!p0 s11, $0x1F;
	p1 =	por !p1, p0  }
0x22: {  	s15 =	sand.u32 @!p0 s15, s11;
	s14 =	simm.s32 @p1 $0x6198  }
0x23: {  	s14 =	ssub.s32 @!p0 s14, s15  }
0x24: {  	s14 =	sadd.s32 @!p0 $0xFFFF9E68, s14  }
0x25: {  	s16 =	sshll.u32 @!p0 s11, $0x7;
	s17 =	simm.s32 @!p0 $0x0;
	s15 =	sshll.u32 @!p0 s14, $0xC  }
0x26: {  	p1 =	sgt.s32 @!p0 s14, $0xF;
	s14 =	ssub.s32 @!p0 $0x10000, s15;
	s15 =	sxor.u32 @!p0 $0xFFFFFFFF, s12  }
0x27: {  	p1 =	por !p1, p0;
	s14 =	sshrl.u32 @!p0 s14, $0x2;
	s15 =	sshll.u32 @!p0 s15, $0xE  }
0x28: {  	s16 =	sadd.s32 @!p0 s2, s16;
	s14 =	simm.s32 @!p1 $0x0;
	s15 =	sand.u32 @!p0 $0x4000, s15  }
0x29: {  	[tilespmem:s15], [sflag:$0x1] =	stream.linear.gather @!p0 [hbm4b:s16+s17], s14, $0x38;
	[tilespmem:$0x10000] =	vst v63  }
0x2a: {  	p0 =	seq.s32 s12, $0x0  }
0x2b: {  	p1 =	sge.u32 @!p0 s12, s7  }
0x2c: {  	p0 =	por p0, p1  }
.Ltmp2:
0x2d: {  	_ = 	snop;
	(pc) =	sbr.rel @p0 .LBB1_8-.Ltmp2, $1  }
0x2e: {  	_ =	sdelay $0x3  }
0x2f: {  	p0 =	sgt.s32 s10, $0x6198;
	s14 =	smov.u32 s10;
	s15 =	sshra.s32 s10, $0x1F  }
0x30: {  	s14 =	simm.s32 @!p0 $0x6198;
	s15 =	sand.u32 s15, s10  }
0x31: {  	s14 =	ssub.s32 s14, s15  }
0x32: {  	s16 =	sadd.s32 $0x10, s10;
	s14 =	sadd.s32 $0xFFFF9E68, s14  }
0x33: {  	p1 =	slt.s32 s16, $0x61A8;
	s30 =	sshll.u32 s14, $0xC  }
0x34: {  	s16 =	simm.s32 @!p1 $0x61A8;
	s15 =	ssub.s32 $0x10000, s30  }
0x35: {  	p0 =	sgt.s32 s14, $0xF;
	s14 =	sshrl.u32 s15, $0x2;
	s15 =	ssub.s32 s16, s10  }
0x36: {  	s14 =	simm.s32 @p0 $0x0;
	p0 =	slt.s32 s15, $0x1  }
.Ltmp3:
0x37: {  	_ = 	snop;
	(pc) =	sbr.rel @p0 .LBB1_7-.Ltmp3, $4  }
0x38: {  	_ = 	snop  }
0x39: {  	_ =	swait.ge [sflag:s4], s14  }
0x3a: {  	s31 =	ssub.s32 $0x0, s14;
	[sflag:s4] =	ssyncset.done $0x0  }
0x3b: {  	[sflag:s4] =	ssyncadd.s32 s31  }
0x3c: {  	s16 =	sshrl.u32 s9, $0x1  }
0x3d: {  	s17 =	sand.u32 $0x4000, s16  }
0x3e: {  	s18 =	simm.s32 $0x0;
	s16 =	sor.u32 $0x200, s17;
	s17 =	sor.u32 $0x8080, s17  }
.LBB1_4:
0x3f: {  	v0 =	vld [tilespmem:s16+$0xFFFFFE70]  }
0x40: {  	v1 =	vld [tilespmem:s16+$0x70]  }
0x41: {  	v2 =	vld [tilespmem:s16+$0x0]  }
0x42: {  	v3 =	vld [tilespmem:s16+$0xFFFFFE10]  }
0x43: {  	v4 =	vld [tilespmem:s16+$0x10]  }
0x44: {  	v5 =	vld [tilespmem:s16+$0xFFFFFE20]  }
0x45: {  	v7 =	vld [tilespmem:s16+$0x20]  }
0x46: {  	v11 =	vld [tilespmem:s16+$0x30];
	v6 =	vunpack.i.l.s16.s32 v0;
	v8 =	vunpack.i.u.s16.s32 v0;
	v9 =	vunpack.i.u.s16.s32 v1  }
0x47: {  	v10 =	vunpack.i.l.s16.s32 v1;
	v0 =	vunpack.i.u.s16.s32 v2;
	v1 =	vunpack.i.l.s16.s32 v2;
	v2 =	vld [tilespmem:s16+$0xFFFFFE30]  }
0x48: {  	v8 =	vpack.i.b32.b16 v9, v8;
	v9 =	vunpack.i.u.s16.s32 v3;
	v3 =	vunpack.i.l.s16.s32 v3  }
0x49: {  	v12 =	vld [tilespmem:s16+$0xFFFFFE40];
	v6 =	vpack.i.b32.b16 v10, v6;
	[tilespmem:s17+$0x70] =	vst v8;
	v8 =	vunpack.i.u.s16.s32 v4;
	v4 =	vunpack.i.l.s16.s32 v4  }
0x4a: {  	v13 =	vld [tilespmem:s16+$0x40];
	v10 =	vunpack.i.u.s16.s32 v5;
	v5 =	vunpack.i.l.s16.s32 v5;
	[tilespmem:s17+$0xFFFFFFF0] =	vst v6;
	v3 =	vpack.i.b32.b16 v4, v3  }
0x4b: {  	v6 =	vunpack.i.l.s16.s32 v7;
	v4 =	vld [tilespmem:s16+$0xFFFFFE50];
	[tilespmem:s17+$0xFFFFFF90] =	vst v3;
	v3 =	vpack.i.b32.b16 v8, v9;
	v8 =	vunpack.i.u.s16.s32 v7  }
0x4c: {  	v7 =	vunpack.i.l.s16.s32 v11;
	[tilespmem:s17+$0x10] =	vst v3;
	v3 =	vpack.i.b32.b16 v6, v5;
	v9 =	vunpack.i.u.s16.s32 v2;
	v6 =	vld [tilespmem:s16+$0x50]  }
0x4d: {  	v5 =	vunpack.i.l.s16.s32 v2;
	v2 =	vld [tilespmem:s16+$0xFFFFFE60];
	[tilespmem:s17+$0xFFFFFFA0] =	vst v3;
	v3 =	vpack.i.b32.b16 v8, v10;
	v10 =	vunpack.i.u.s16.s32 v11  }
0x4e: {  	s21 =	simm.s32 $0x0;
	v11 =	vpack.i.b32.b16 v7, v5;
	v7 =	vunpack.i.u.s16.s32 v12;
	v8 =	vunpack.i.l.s16.s32 v12;
	[tilespmem:s17+$0x20] =	vst v3;
	v3 =	vld [tilespmem:s16+$0x60]  }
0x4f: {  	s22 =	sadd.s32 $0x80, s16;
	s20 =	smov.u32 s17;
	s19 =	smov.u32 s17;
	v5 =	vld [tilespmem:s16+$0xFFFFFE00];
	[tilespmem:s17+$0xFFFFFFB0] =	vst v11;
	v10 =	vpack.i.b32.b16 v10, v9;
	v9 =	vunpack.i.u.s16.s32 v13;
	v11 =	vunpack.i.l.s16.s32 v13  }
.LBB1_5:
0x50: {  	v12 =	vld [tilespmem:s22+$0xFFFFFE70];
	[tilespmem:s20+$0x30] =	vst v10;
	v8 =	vpack.i.b32.b16 v11, v8;
	v10 =	vunpack.i.u.s16.s32 v4;
	v4 =	vunpack.i.l.s16.s32 v4  }
0x51: {  	s21 =	sadd.s32 $0x2, s21;
	v7 =	vpack.i.b32.b16 v9, v7;
	v11 =	vld [tilespmem:s22+$0x70];
	[tilespmem:s20+$0xFFFFFFC0] =	vst v8;
	v8 =	vunpack.i.u.s16.s32 v6;
	v6 =	vunpack.i.l.s16.s32 v6  }
0x52: {  	p0 =	slt.u32 s21, $0x6;
	v9 =	vld [tilespmem:s22+$0x0];
	[tilespmem:s20+$0x40] =	vst v7;
	v4 =	vpack.i.b32.b16 v6, v4;
	v6 =	vunpack.i.u.s16.s32 v2;
	v2 =	vunpack.i.l.s16.s32 v2  }
0x53: {  	v7 =	vld [tilespmem:s22+$0xFFFFFE10];
	[tilespmem:s20+$0xFFFFFFD0] =	vst v4;
	v4 =	vpack.i.b32.b16 v8, v10;
	v8 =	vunpack.i.u.s16.s32 v3;
	v3 =	vunpack.i.l.s16.s32 v3  }
0x54: {  	v10 =	vld [tilespmem:s22+$0x10];
	v13 =	vunpack.i.u.s16.s32 v5;
	v5 =	vunpack.i.l.s16.s32 v5;
	[tilespmem:s20+$0x50] =	vst v4;
	v2 =	vpack.i.b32.b16 v3, v2  }
0x55: {  	v3 =	vld [tilespmem:s22+$0xFFFFFE20];
	v4 =	vunpack.i.l.s16.s32 v12;
	v1 =	vpack.i.b32.b16 v1, v5;
	v5 =	vpack.i.b32.b16 v0, v13;
	[tilespmem:s20+$0xFFFFFFE0] =	vst v2  }
0x56: {  	v12 =	vunpack.i.u.s16.s32 v12;
	v2 =	vld [tilespmem:s22+$0x20];
	v13 =	vunpack.i.u.s16.s32 v11;
	v11 =	vunpack.i.l.s16.s32 v11;
	[tilespmem:s20+$0xFFFFFF80] =	vst v1  }
0x57: {  	s20 =	sadd.s32 $0x100, s20;
	v0 =	vunpack.i.u.s16.s32 v9;
	v1 =	vunpack.i.l.s16.s32 v9;
	v9 =	vld [tilespmem:s22+$0xFFFFFE30];
	v12 =	vpack.i.b32.b16 v13, v12;
	[tilespmem:s19+$0x0] =	vst v5  }
0x58: {  	v6 =	vpack.i.b32.b16 v8, v6;
	v5 =	vunpack.i.u.s16.s32 v7;
	v7 =	vunpack.i.l.s16.s32 v7;
	v13 =	vld [tilespmem:s22+$0x30];
	[tilespmem:s20+$0x70] =	vst v12  }
0x59: {  	v4 =	vpack.i.b32.b16 v11, v4;
	v8 =	vunpack.i.u.s16.s32 v10;
	v10 =	vunpack.i.l.s16.s32 v10;
	v12 =	vld [tilespmem:s22+$0xFFFFFE40];
	[tilespmem:s19+$0x60] =	vst v6;
	s19 =	smov.u32 s20  }
0x5a: {  	v6 =	vpack.i.b32.b16 v10, v7;
	v7 =	vunpack.i.u.s16.s32 v3;
	v3 =	vunpack.i.l.s16.s32 v3;
	v11 =	vld [tilespmem:s22+$0x40];
	[tilespmem:s20+$0xFFFFFFF0] =	vst v4  }
.Ltmp4:
0x5b: {  	v5 =	vpack.i.b32.b16 v8, v5;
	[tilespmem:s20+$0xFFFFFF90] =	vst v6;
	v8 =	vunpack.i.u.s16.s32 v2;
	v2 =	vunpack.i.l.s16.s32 v2;
	v4 =	vld [tilespmem:s22+$0xFFFFFE50];
	(pc) =	sbr.rel @p0 .LBB1_5-.Ltmp4, $4  }
0x5c: {  	[tilespmem:s20+$0x10] =	vst v5;
	v2 =	vpack.i.b32.b16 v2, v3;
	v10 =	vunpack.i.u.s16.s32 v9;
	v3 =	vunpack.i.l.s16.s32 v9;
	v6 =	vld [tilespmem:s22+$0x50]  }
0x5d: {  	v5 =	vpack.i.b32.b16 v8, v7;
	[tilespmem:s20+$0xFFFFFFA0] =	vst v2;
	v9 =	vunpack.i.u.s16.s32 v13;
	v7 =	vunpack.i.l.s16.s32 v13;
	v2 =	vld [tilespmem:s22+$0xFFFFFE60]  }
0x5e: {  	[tilespmem:s20+$0x20] =	vst v5;
	v13 =	vpack.i.b32.b16 v7, v3;
	v7 =	vunpack.i.u.s16.s32 v12;
	v8 =	vunpack.i.l.s16.s32 v12;
	v3 =	vld [tilespmem:s22+$0x60]  }
0x5f: {  	v10 =	vpack.i.b32.b16 v9, v10;
	v5 =	vld [tilespmem:s22+$0xFFFFFE00];
	[tilespmem:s20+$0xFFFFFFB0] =	vst v13;
	v9 =	vunpack.i.u.s16.s32 v11;
	v11 =	vunpack.i.l.s16.s32 v11;
	s22 =	sadd.s32 $0x80, s22  }
0x60: {  	[tilespmem:s20+$0x30] =	vst v10;
	v8 =	vpack.i.b32.b16 v11, v8  }
0x61: {  	v51 =	vunpack.i.l.s16.s32 v4;
	v7 =	vpack.i.b32.b16 v9, v7;
	[tilespmem:s20+$0xFFFFFFC0] =	vst v8;
	v52 =	vunpack.i.l.s16.s32 v6  }
0x62: {  	v53 =	vunpack.i.u.s16.s32 v4;
	s18 =	sadd.s32 $0x1, s18;
	v54 =	vunpack.i.u.s16.s32 v6;
	[tilespmem:s20+$0x40] =	vst v7;
	v55 =	vpack.i.b32.b16 v52, v51  }
0x63: {  	p0 =	sne.s32 s18, s15;
	v56 =	vunpack.i.l.s16.s32 v2;
	v4 =	vpack.i.b32.b16 v54, v53;
	[tilespmem:s20+$0xFFFFFFD0] =	vst v55;
	v57 =	vunpack.i.l.s16.s32 v3  }
.Ltmp5:
0x64: {  	[tilespmem:s20+$0x50] =	vst v4;
	v58 =	vunpack.i.l.s16.s32 v5;
	v59 =	vpack.i.b32.b16 v57, v56;
	(pc) =	sbr.rel @p0 .LBB1_4-.Ltmp5, $4  }
.Ltmp6:
0x65: {  	v61 =	vunpack.i.u.s16.s32 v2;
	v62 =	vunpack.i.u.s16.s32 v3;
	v1 =	vpack.i.b32.b16 v1, v58;
	[tilespmem:s20+$0xFFFFFFE0] =	vst v59;
	(pc) =	sbr.rel @!p0 .LBB1_7-.Ltmp6, $4  }
0x66: {  	v60 =	vunpack.i.u.s16.s32 v5;
	v63 =	vpack.i.b32.b16 v62, v61;
	[tilespmem:s20+$0xFFFFFF80] =	vst v1  }
0x67: {  	v0 =	vpack.i.b32.b16 v0, v60;
	[tilespmem:s19+$0x60] =	vst v63  }
0x68: {  	s16 =	sadd.s32 $0x400, s16;
	s17 =	sadd.s32 $0x400, s17;
	[tilespmem:s19+$0x0] =	vst v0  }
0x69: {  	_ = 	snop  }
.LBB1_9:
0x6a: {  	_ =	sfence.sel $0x180000  }
0x6b: {  	s2 =	simm.s32 $0x1;
	[bflag:$0x0] =	sbarrier.arrive $0xFFFF  }
0x6c: {  	s31 =	simm.s32 $0x2;
	[sflag:s2] =	ssyncpa.u1 $0x1  }
0x6d: {  	[sflag:s31] =	ssyncpa.u1 $0x1  }
0x6e: {  	p0 =	sne.s32 s1, $0x0;
	_ =	strace $0x90000047  }
0x6f: {  	s0 =	sadd.s32 @!p0 $0x100000, s0;
	[bflag:$0x2] =	sbarrier.arrive $0xFFFF  }
0x70: {  	[sflag:s0] =	ssyncadd.tile.s32 @!p0 $0x1;
	_ =	shalt  }
.Lfunc_end1:
_tile_overlayer_lowered:
.L_overlay_start_2:
0x71: {  	(tag) =	ssettag $0x2  }
0x72: {  	s0 =	rddreg [dreg:$0x0];
	s2 =	stileid.u32  }
0x73: {  	s1 =	rddreg [dreg:$0x1];
	p0 =	sne.s32 s2, $0x0  }
0x74: {  	s3 =	rddreg [dreg:$0x2];
	[bflag:$0x3] =	sbarrier.arrive $0xFFFF;
	s2 =	simm.s32 @!p0 $0x1C01  }
0x75: {  	[timem:s3], [sflag:s2] =	dma.local @!p0 [hbm:s0], s1  }
0x76: {  	s0 =	simm.s32 @!p0 $0x1  }
0x77: {  	_ =	swait.ge @!p0 [sflag:s0], s1  }
0x78: {  	s1 =	ssub.s32 @!p0 $0x0, s1;
	[sflag:s0] =	ssyncset.done @!p0 $0x0  }
0x79: {  	[sflag:s0] =	ssyncadd.s32 @!p0 s1  }
0x7a: {  	[bflag:$0x3] =	sbarrier.arrive $0xFFFF  }
0x7b: {  	_ =	shalt  }

</sc_bundles>
